<compile_context>
chip_gen: v7x
topology: tpu7x:2x2x1
jax: 0.10.2.dev20260603
libtpu: 0.0.44.dev20260713+nightly
codegen_flags: <defaults>
</compile_context>

<pallas_src>
import functools

import jax
import jax.numpy as jnp
from jax import lax
from jax.experimental import pallas as pl
from jax.experimental.pallas import tpu as pltpu
from jax.experimental.pallas import tpu_sc as plsc

N_TABLE = 100000
D = 128
BATCH = 4096
SEQ = 50
B_TOTAL = BATCH * SEQ
NC, NS = 2, 16
NW = NC * NS
PER_W = B_TOTAL // NW
CHUNK = 128
NCHUNK = PER_W // CHUNK
NBUF = 5
NGROUP = NCHUNK // NBUF

_MESH = plsc.VectorSubcoreMesh(
    core_axis_name="c", subcore_axis_name="s", num_cores=NC, num_subcores=NS
)


@functools.partial(
    pl.kernel,
    out_type=jax.ShapeDtypeStruct((B_TOTAL, D), jnp.float32),
    mesh=_MESH,
    scratch_types=[
        pltpu.VMEM((PER_W,), jnp.int32),
        pltpu.VMEM((NBUF, CHUNK, D), jnp.float32),
        pltpu.SemaphoreType.DMA((NBUF,)),
        pltpu.SemaphoreType.DMA((NBUF,)),
    ],
)
def _sc_gather(lut_hbm, idx_hbm, out_hbm, idx_v, rows_v, gsem, ssem):
    wid = lax.axis_index("s") * NC + lax.axis_index("c")
    base = wid * PER_W
    pltpu.sync_copy(idx_hbm.at[pl.ds(base, PER_W)], idx_v)

    def start_gather(j, b):
        idx_slice = idx_v.at[pl.ds(j * CHUNK, CHUNK)]
        pltpu.async_copy(lut_hbm.at[idx_slice], rows_v.at[b], gsem.at[b])

    def wait_gather(b):
        idx_slice = idx_v.at[pl.ds(0, CHUNK)]
        pltpu.make_async_copy(lut_hbm.at[idx_slice], rows_v.at[b], gsem.at[b]).wait()

    def start_store(j, b):
        pltpu.async_copy(
            rows_v.at[b], out_hbm.at[pl.ds(base + j * CHUNK, CHUNK)], ssem.at[b]
        )

    def wait_store(b):
        pltpu.make_async_copy(
            rows_v.at[b], out_hbm.at[pl.ds(base, CHUNK)], ssem.at[b]
        ).wait()

    for b in range(NBUF - 1):
        start_gather(b, b)

    for b in range(NBUF):
        wait_gather(b)
        start_store(b, b)
        if b > 0:
            wait_store(b - 1)
        start_gather(b + NBUF - 1, (b - 1) % NBUF)

    def group_body(g, carry):
        j0 = g * NBUF
        for b in range(NBUF):
            j = j0 + b
            wait_gather(b)
            start_store(j, b)
            bb = (b - 1) % NBUF
            wait_store(bb)
            start_gather(j + NBUF - 1, bb)
        return carry

    lax.fori_loop(1, NGROUP - 1, group_body, 0)

    j0 = NCHUNK - NBUF
    wait_gather(0)
    start_store(j0, 0)
    wait_store(NBUF - 1)
    start_gather(j0 + NBUF - 1, NBUF - 1)
    for b in range(1, NBUF):
        wait_gather(b)
        start_store(j0 + b, b)
    for b in range(NBUF):
        wait_store(b)


def kernel(x, lut):
    xs = jnp.transpose(x.astype(jnp.int32), (1, 0))
    idx = jnp.reshape(xs, (B_TOTAL,))
    out = _sc_gather(lut, idx)
    out = jnp.reshape(out, (SEQ, BATCH, D))
    return jnp.transpose(out, (1, 0, 2))

# --- scband reference (transcript-rebuilt; emitter-appended) ---
"""Pipeline reference for scband-style-embeddings-62637803044879 (READ-ONLY COPY).

The authoritative reference and input builder live on the scoring server;
editing this copy changes nothing except your own understanding.
"""

import jax, jax.numpy as jnp
import numpy as np

N_STYLE = 100000
D_STYLE = 128

def setup_inputs(seed: int = 0) -> dict:
    key = jax.random.key(seed)
    k1, k2 = jax.random.split(key)
    x = jax.random.randint(k1, (4096, 50), 0, N_STYLE, dtype=jnp.int64 if jax.config.read('jax_enable_x64') else jnp.int32)
    lut = jax.random.normal(k2, (N_STYLE, D_STYLE), dtype=jnp.float32)
    return {"x": x, "lut": lut}

def reference(x, lut):
    # nn.Embedding lookup: gather rows of the table
    return jnp.take(lut, x, axis=0)

if __name__ == "__main__":
    import jax
    _d = setup_inputs()
    print(jax.jit(kernel)(*tuple(_d.values())))

</pallas_src>

<mosaic_0001>
#map = affine_map<(d0, d1) -> (0, 0)>
#map1 = affine_map<(d0, d1) -> (0)>
module attributes {stable_mosaic.version = 14 : i64} {
  func.func @_sc_gather(%arg0: i32, %arg1: i32, %arg2: memref<100000x128xf32, #tpu.memory_space<hbm>>, %arg3: memref<204800xi32, #tpu.memory_space<hbm>>, %arg4: memref<204800x128xf32, #tpu.memory_space<hbm>>, %arg5: memref<6400xi32, #tpu.memory_space<vmem>>, %arg6: memref<5x128x128xf32, #tpu.memory_space<vmem>>, %arg7: memref<5x!tpu.dma_semaphore, #tpu.memory_space<semaphore_mem>>, %arg8: memref<5x!tpu.dma_semaphore, #tpu.memory_space<semaphore_mem>>) attributes {dimension_semantics = [#tpu.dimension_semantics<core_parallel>, #tpu.dimension_semantics<subcore_parallel>], iteration_bounds = array<i64: 2, 16>, scalar_prefetch = 0 : i64, scratch_operands = 4 : i64, tpu.core_type = #tpu.core_type<sc_vector_subcore>, window_params = [{transform_indices = #map}, {transform_indices = #map1}, {transform_indices = #map}]} {
    %mul3A = arith.constant 2 : i32
    %mul3A_0 = arith.muli %arg1, %mul3A : i32
    %add3A = arith.addi %mul3A_0, %arg0 : i32
    %mul3A_1 = arith.constant 6400 : i32
    %mul3A_2 = arith.muli %add3A, %mul3A_1 : i32
    "tpu.region"() ({
      %run_scoped3A = tpu.sem_alloc : memref<!tpu.dma_semaphore, #tpu.memory_space<semaphore_mem>>
      %dma_start3A_606 = tpu.memref_slice %arg3[%mul3A_2] : memref<204800xi32, #tpu.memory_space<hbm>> -> memref<6400xi32, #tpu.memory_space<hbm>>
      %dma_start3A_607 = tpu.memref_slice %arg3[%mul3A_2] : memref<204800xi32, #tpu.memory_space<hbm>> -> memref<6400xi32, #tpu.memory_space<hbm>>
      tpu.enqueue_dma source(%dma_start3A_607 : memref<6400xi32, #tpu.memory_space<hbm>>) target(%arg5 : memref<6400xi32, #tpu.memory_space<vmem>>) target_semaphore(%run_scoped3A : memref<!tpu.dma_semaphore, #tpu.memory_space<semaphore_mem>>)
      %dma_wait3A_608 = tpu.memref_slice %arg3[%mul3A_2] : memref<204800xi32, #tpu.memory_space<hbm>> -> memref<6400xi32, #tpu.memory_space<hbm>>
      %dma_wait3A_609 = tpu.memref_slice %arg3[%mul3A_2] : memref<204800xi32, #tpu.memory_space<hbm>> -> memref<6400xi32, #tpu.memory_space<hbm>>
      tpu.wait_dma2 semaphore(%run_scoped3A : memref<!tpu.dma_semaphore, #tpu.memory_space<semaphore_mem>>) src(%dma_wait3A_609 : memref<6400xi32, #tpu.memory_space<hbm>>) dst(%arg5 : memref<6400xi32, #tpu.memory_space<vmem>>)
      tpu.yield
    }) : () -> ()
    %dma_start3A = arith.constant 0 : i32
    %dma_start3A_3 = arith.constant 0 : i32
    %dma_start3A_4 = arith.constant 0 : i32
    %dma_start3A_5 = arith.constant 0 : i32
    %dma_start3A_6 = tpu.memref_slice %arg6[%dma_start3A, %dma_start3A_4, %dma_start3A_5] : memref<5x128x128xf32, #tpu.memory_space<vmem>> -> memref<1x128x128xf32, #tpu.memory_space<vmem>>
    %dma_start3A_7 = tpu.memref_squeeze %dma_start3A_6 : memref<1x128x128xf32, #tpu.memory_space<vmem>> -> memref<128x128xf32, #tpu.memory_space<vmem>>
    %dma_start3A_8 = arith.constant 0 : i32
    %dma_start3A_9 = tpu.memref_slice %arg5[%dma_start3A_8] : memref<6400xi32, #tpu.memory_space<vmem>> -> memref<128xi32, #tpu.memory_space<vmem>>
    %dma_start3A_10 = arith.constant 0 : i32
    %dma_start3A_11 = arith.constant 0 : i32
    %dma_start3A_12 = tpu.memref_slice %arg2[%dma_start3A_10, %dma_start3A_11] : memref<100000x128xf32, #tpu.memory_space<hbm>> -> memref<100000x128xf32, #tpu.memory_space<hbm>>
    %dma_start3A_13 = tpu.memref_slice %arg7[%dma_start3A_3] : memref<5x!tpu.dma_semaphore, #tpu.memory_space<semaphore_mem>> -> memref<1x!tpu.dma_semaphore, #tpu.memory_space<semaphore_mem>>
    %dma_start3A_14 = tpu.memref_squeeze %dma_start3A_13 : memref<1x!tpu.dma_semaphore, #tpu.memory_space<semaphore_mem>> -> memref<!tpu.dma_semaphore, #tpu.memory_space<semaphore_mem>>
    tpu.enqueue_indirect_dma source(%dma_start3A_12 : memref<100000x128xf32, #tpu.memory_space<hbm>>) target(%dma_start3A_7 : memref<128x128xf32, #tpu.memory_space<vmem>>) offsets(%dma_start3A_9 : memref<128xi32, #tpu.memory_space<vmem>>) semaphore(%dma_start3A_14 : memref<!tpu.dma_semaphore, #tpu.memory_space<semaphore_mem>>)
    %dma_start3A_15 = arith.constant 1 : i32
    %dma_start3A_16 = arith.constant 1 : i32
    %dma_start3A_17 = arith.constant 0 : i32
    %dma_start3A_18 = arith.constant 0 : i32
    %dma_start3A_19 = tpu.memref_slice %arg6[%dma_start3A_15, %dma_start3A_17, %dma_start3A_18] : memref<5x128x128xf32, #tpu.memory_space<vmem>> -> memref<1x128x128xf32, #tpu.memory_space<vmem>>
    %dma_start3A_20 = tpu.memref_squeeze %dma_start3A_19 : memref<1x128x128xf32, #tpu.memory_space<vmem>> -> memref<128x128xf32, #tpu.memory_space<vmem>>
    %dma_start3A_21 = arith.constant 128 : i32
    %dma_start3A_22 = tpu.memref_slice %arg5[%dma_start3A_21] : memref<6400xi32, #tpu.memory_space<vmem>> -> memref<128xi32, #tpu.memory_space<vmem>>
    %dma_start3A_23 = arith.constant 0 : i32
    %dma_start3A_24 = arith.constant 0 : i32
    %dma_start3A_25 = tpu.memref_slice %arg2[%dma_start3A_23, %dma_start3A_24] : memref<100000x128xf32, #tpu.memory_space<hbm>> -> memref<100000x128xf32, #tpu.memory_space<hbm>>
    %dma_start3A_26 = tpu.memref_slice %arg7[%dma_start3A_16] : memref<5x!tpu.dma_semaphore, #tpu.memory_space<semaphore_mem>> -> memref<1x!tpu.dma_semaphore, #tpu.memory_space<semaphore_mem>>
    %dma_start3A_27 = tpu.memref_squeeze %dma_start3A_26 : memref<1x!tpu.dma_semaphore, #tpu.memory_space<semaphore_mem>> -> memref<!tpu.dma_semaphore, #tpu.memory_space<semaphore_mem>>
    tpu.enqueue_indirect_dma source(%dma_start3A_25 : memref<100000x128xf32, #tpu.memory_space<hbm>>) target(%dma_start3A_20 : memref<128x128xf32, #tpu.memory_space<vmem>>) offsets(%dma_start3A_22 : memref<128xi32, #tpu.memory_space<vmem>>) semaphore(%dma_start3A_27 : memref<!tpu.dma_semaphore, #tpu.memory_space<semaphore_mem>>)
    %dma_start3A_28 = arith.constant 2 : i32
    %dma_start3A_29 = arith.constant 2 : i32
    %dma_start3A_30 = arith.constant 0 : i32
    %dma_start3A_31 = arith.constant 0 : i32
    %dma_start3A_32 = tpu.memref_slice %arg6[%dma_start3A_28, %dma_start3A_30, %dma_start3A_31] : memref<5x128x128xf32, #tpu.memory_space<vmem>> -> memref<1x128x128xf32, #tpu.memory_space<vmem>>
    %dma_start3A_33 = tpu.memref_squeeze %dma_start3A_32 : memref<1x128x128xf32, #tpu.memory_space<vmem>> -> memref<128x128xf32, #tpu.memory_space<vmem>>
    %dma_start3A_34 = arith.constant 256 : i32
    %dma_start3A_35 = tpu.memref_slice %arg5[%dma_start3A_34] : memref<6400xi32, #tpu.memory_space<vmem>> -> memref<128xi32, #tpu.memory_space<vmem>>
    %dma_start3A_36 = arith.constant 0 : i32
    %dma_start3A_37 = arith.constant 0 : i32
    %dma_start3A_38 = tpu.memref_slice %arg2[%dma_start3A_36, %dma_start3A_37] : memref<100000x128xf32, #tpu.memory_space<hbm>> -> memref<100000x128xf32, #tpu.memory_space<hbm>>
    %dma_start3A_39 = tpu.memref_slice %arg7[%dma_start3A_29] : memref<5x!tpu.dma_semaphore, #tpu.memory_space<semaphore_mem>> -> memref<1x!tpu.dma_semaphore, #tpu.memory_space<semaphore_mem>>
    %dma_start3A_40 = tpu.memref_squeeze %dma_start3A_39 : memref<1x!tpu.dma_semaphore, #tpu.memory_space<semaphore_mem>> -> memref<!tpu.dma_semaphore, #tpu.memory_space<semaphore_mem>>
    tpu.enqueue_indirect_dma source(%dma_start3A_38 : memref<100000x128xf32, #tpu.memory_space<hbm>>) target(%dma_start3A_33 : memref<128x128xf32, #tpu.memory_space<vmem>>) offsets(%dma_start3A_35 : memref<128xi32, #tpu.memory_space<vmem>>) semaphore(%dma_start3A_40 : memref<!tpu.dma_semaphore, #tpu.memory_space<semaphore_mem>>)
    %dma_start3A_41 = arith.constant 3 : i32
    %dma_start3A_42 = arith.constant 3 : i32
    %dma_start3A_43 = arith.constant 0 : i32
    %dma_start3A_44 = arith.constant 0 : i32
    %dma_start3A_45 = tpu.memref_slice %arg6[%dma_start3A_41, %dma_start3A_43, %dma_start3A_44] : memref<5x128x128xf32, #tpu.memory_space<vmem>> -> memref<1x128x128xf32, #tpu.memory_space<vmem>>
    %dma_start3A_46 = tpu.memref_squeeze %dma_start3A_45 : memref<1x128x128xf32, #tpu.memory_space<vmem>> -> memref<128x128xf32, #tpu.memory_space<vmem>>
    %dma_start3A_47 = arith.constant 384 : i32
    %dma_start3A_48 = tpu.memref_slice %arg5[%dma_start3A_47] : memref<6400xi32, #tpu.memory_space<vmem>> -> memref<128xi32, #tpu.memory_space<vmem>>
    %dma_start3A_49 = arith.constant 0 : i32
    %dma_start3A_50 = arith.constant 0 : i32
    %dma_start3A_51 = tpu.memref_slice %arg2[%dma_start3A_49, %dma_start3A_50] : memref<100000x128xf32, #tpu.memory_space<hbm>> -> memref<100000x128xf32, #tpu.memory_space<hbm>>
    %dma_start3A_52 = tpu.memref_slice %arg7[%dma_start3A_42] : memref<5x!tpu.dma_semaphore, #tpu.memory_space<semaphore_mem>> -> memref<1x!tpu.dma_semaphore, #tpu.memory_space<semaphore_mem>>
    %dma_start3A_53 = tpu.memref_squeeze %dma_start3A_52 : memref<1x!tpu.dma_semaphore, #tpu.memory_space<semaphore_mem>> -> memref<!tpu.dma_semaphore, #tpu.memory_space<semaphore_mem>>
    tpu.enqueue_indirect_dma source(%dma_start3A_51 : memref<100000x128xf32, #tpu.memory_space<hbm>>) target(%dma_start3A_46 : memref<128x128xf32, #tpu.memory_space<vmem>>) offsets(%dma_start3A_48 : memref<128xi32, #tpu.memory_space<vmem>>) semaphore(%dma_start3A_53 : memref<!tpu.dma_semaphore, #tpu.memory_space<semaphore_mem>>)
    %dma_wait3A = arith.constant 0 : i32
    %dma_wait3A_54 = arith.constant 0 : i32
    %dma_wait3A_55 = arith.constant 0 : i32
    %dma_wait3A_56 = arith.constant 0 : i32
    %dma_wait3A_57 = tpu.memref_slice %arg6[%dma_wait3A, %dma_wait3A_55, %dma_wait3A_56] : memref<5x128x128xf32, #tpu.memory_space<vmem>> -> memref<1x128x128xf32, #tpu.memory_space<vmem>>
    %dma_wait3A_58 = tpu.memref_squeeze %dma_wait3A_57 : memref<1x128x128xf32, #tpu.memory_space<vmem>> -> memref<128x128xf32, #tpu.memory_space<vmem>>
    %dma_wait3A_59 = arith.constant 0 : i32
    %dma_wait3A_60 = tpu.memref_slice %arg5[%dma_wait3A_59] : memref<6400xi32, #tpu.memory_space<vmem>> -> memref<128xi32, #tpu.memory_space<vmem>>
    %dma_wait3A_61 = arith.constant 0 : i32
    %dma_wait3A_62 = arith.constant 0 : i32
    %dma_wait3A_63 = tpu.memref_slice %arg2[%dma_wait3A_61, %dma_wait3A_62] : memref<100000x128xf32, #tpu.memory_space<hbm>> -> memref<100000x128xf32, #tpu.memory_space<hbm>>
    %dma_wait3A_64 = tpu.memref_slice %arg7[%dma_wait3A_54] : memref<5x!tpu.dma_semaphore, #tpu.memory_space<semaphore_mem>> -> memref<1x!tpu.dma_semaphore, #tpu.memory_space<semaphore_mem>>
    %dma_wait3A_65 = tpu.memref_squeeze %dma_wait3A_64 : memref<1x!tpu.dma_semaphore, #tpu.memory_space<semaphore_mem>> -> memref<!tpu.dma_semaphore, #tpu.memory_space<semaphore_mem>>
    tpu.wait_indirect_dma semaphore(%dma_wait3A_65 : memref<!tpu.dma_semaphore, #tpu.memory_space<semaphore_mem>>) src(%dma_wait3A_63 : memref<100000x128xf32, #tpu.memory_space<hbm>>) dst(%dma_wait3A_58 : memref<128x128xf32, #tpu.memory_space<vmem>>)
    %add3A_66 = arith.constant 0 : i32
    %add3A_67 = arith.addi %mul3A_2, %add3A_66 : i32
    %dma_start3A_68 = arith.constant 0 : i32
    %dma_start3A_69 = arith.constant 0 : i32
    %dma_start3A_70 = arith.constant 0 : i32
    %dma_start3A_71 = arith.constant 0 : i32
    %dma_start3A_72 = tpu.memref_slice %arg6[%dma_start3A_68, %dma_start3A_70, %dma_start3A_71] : memref<5x128x128xf32, #tpu.memory_space<vmem>> -> memref<1x128x128xf32, #tpu.memory_space<vmem>>
    %dma_start3A_73 = tpu.memref_squeeze %dma_start3A_72 : memref<1x128x128xf32, #tpu.memory_space<vmem>> -> memref<128x128xf32, #tpu.memory_space<vmem>>
    %dma_start3A_74 = arith.constant 0 : i32
    %dma_start3A_75 = tpu.memref_slice %arg4[%add3A_67, %dma_start3A_74] : memref<204800x128xf32, #tpu.memory_space<hbm>> -> memref<128x128xf32, #tpu.memory_space<hbm>>
    %dma_start3A_76 = tpu.memref_slice %arg8[%dma_start3A_69] : memref<5x!tpu.dma_semaphore, #tpu.memory_space<semaphore_mem>> -> memref<1x!tpu.dma_semaphore, #tpu.memory_space<semaphore_mem>>
    %dma_start3A_77 = tpu.memref_squeeze %dma_start3A_76 : memref<1x!tpu.dma_semaphore, #tpu.memory_space<semaphore_mem>> -> memref<!tpu.dma_semaphore, #tpu.memory_space<semaphore_mem>>
    %dma_start3A_78 = arith.constant 0 : i32
    %dma_start3A_79 = tpu.memref_slice %arg4[%add3A_67, %dma_start3A_78] : memref<204800x128xf32, #tpu.memory_space<hbm>> -> memref<128x128xf32, #tpu.memory_space<hbm>>
    %dma_start3A_80 = arith.constant 0 : i32
    %dma_start3A_81 = arith.constant 0 : i32
    %dma_start3A_82 = tpu.memref_slice %arg6[%dma_start3A_68, %dma_start3A_80, %dma_start3A_81] : memref<5x128x128xf32, #tpu.memory_space<vmem>> -> memref<1x128x128xf32, #tpu.memory_space<vmem>>
    %dma_start3A_83 = tpu.memref_squeeze %dma_start3A_82 : memref<1x128x128xf32, #tpu.memory_space<vmem>> -> memref<128x128xf32, #tpu.memory_space<vmem>>
    tpu.enqueue_dma source(%dma_start3A_83 : memref<128x128xf32, #tpu.memory_space<vmem>>) target(%dma_start3A_79 : memref<128x128xf32, #tpu.memory_space<hbm>>) target_semaphore(%dma_start3A_77 : memref<!tpu.dma_semaphore, #tpu.memory_space<semaphore_mem>>)
    %dma_start3A_84 = arith.constant 4 : i32
    %dma_start3A_85 = arith.constant 4 : i32
    %dma_start3A_86 = arith.constant 0 : i32
    %dma_start3A_87 = arith.constant 0 : i32
    %dma_start3A_88 = tpu.memref_slice %arg6[%dma_start3A_84, %dma_start3A_86, %dma_start3A_87] : memref<5x128x128xf32, #tpu.memory_space<vmem>> -> memref<1x128x128xf32, #tpu.memory_space<vmem>>
    %dma_start3A_89 = tpu.memref_squeeze %dma_start3A_88 : memref<1x128x128xf32, #tpu.memory_space<vmem>> -> memref<128x128xf32, #tpu.memory_space<vmem>>
    %dma_start3A_90 = arith.constant 512 : i32
    %dma_start3A_91 = tpu.memref_slice %arg5[%dma_start3A_90] : memref<6400xi32, #tpu.memory_space<vmem>> -> memref<128xi32, #tpu.memory_space<vmem>>
    %dma_start3A_92 = arith.constant 0 : i32
    %dma_start3A_93 = arith.constant 0 : i32
    %dma_start3A_94 = tpu.memref_slice %arg2[%dma_start3A_92, %dma_start3A_93] : memref<100000x128xf32, #tpu.memory_space<hbm>> -> memref<100000x128xf32, #tpu.memory_space<hbm>>
    %dma_start3A_95 = tpu.memref_slice %arg7[%dma_start3A_85] : memref<5x!tpu.dma_semaphore, #tpu.memory_space<semaphore_mem>> -> memref<1x!tpu.dma_semaphore, #tpu.memory_space<semaphore_mem>>
    %dma_start3A_96 = tpu.memref_squeeze %dma_start3A_95 : memref<1x!tpu.dma_semaphore, #tpu.memory_space<semaphore_mem>> -> memref<!tpu.dma_semaphore, #tpu.memory_space<semaphore_mem>>
    tpu.enqueue_indirect_dma source(%dma_start3A_94 : memref<100000x128xf32, #tpu.memory_space<hbm>>) target(%dma_start3A_89 : memref<128x128xf32, #tpu.memory_space<vmem>>) offsets(%dma_start3A_91 : memref<128xi32, #tpu.memory_space<vmem>>) semaphore(%dma_start3A_96 : memref<!tpu.dma_semaphore, #tpu.memory_space<semaphore_mem>>)
    %dma_wait3A_97 = arith.constant 1 : i32
    %dma_wait3A_98 = arith.constant 1 : i32
    %dma_wait3A_99 = arith.constant 0 : i32
    %dma_wait3A_100 = arith.constant 0 : i32
    %dma_wait3A_101 = tpu.memref_slice %arg6[%dma_wait3A_97, %dma_wait3A_99, %dma_wait3A_100] : memref<5x128x128xf32, #tpu.memory_space<vmem>> -> memref<1x128x128xf32, #tpu.memory_space<vmem>>
    %dma_wait3A_102 = tpu.memref_squeeze %dma_wait3A_101 : memref<1x128x128xf32, #tpu.memory_space<vmem>> -> memref<128x128xf32, #tpu.memory_space<vmem>>
    %dma_wait3A_103 = arith.constant 0 : i32
    %dma_wait3A_104 = tpu.memref_slice %arg5[%dma_wait3A_103] : memref<6400xi32, #tpu.memory_space<vmem>> -> memref<128xi32, #tpu.memory_space<vmem>>
    %dma_wait3A_105 = arith.constant 0 : i32
    %dma_wait3A_106 = arith.constant 0 : i32
    %dma_wait3A_107 = tpu.memref_slice %arg2[%dma_wait3A_105, %dma_wait3A_106] : memref<100000x128xf32, #tpu.memory_space<hbm>> -> memref<100000x128xf32, #tpu.memory_space<hbm>>
    %dma_wait3A_108 = tpu.memref_slice %arg7[%dma_wait3A_98] : memref<5x!tpu.dma_semaphore, #tpu.memory_space<semaphore_mem>> -> memref<1x!tpu.dma_semaphore, #tpu.memory_space<semaphore_mem>>
    %dma_wait3A_109 = tpu.memref_squeeze %dma_wait3A_108 : memref<1x!tpu.dma_semaphore, #tpu.memory_space<semaphore_mem>> -> memref<!tpu.dma_semaphore, #tpu.memory_space<semaphore_mem>>
    tpu.wait_indirect_dma semaphore(%dma_wait3A_109 : memref<!tpu.dma_semaphore, #tpu.memory_space<semaphore_mem>>) src(%dma_wait3A_107 : memref<100000x128xf32, #tpu.memory_space<hbm>>) dst(%dma_wait3A_102 : memref<128x128xf32, #tpu.memory_space<vmem>>)
    %add3A_110 = arith.constant 128 : i32
    %add3A_111 = arith.addi %mul3A_2, %add3A_110 : i32
    %dma_start3A_112 = arith.constant 1 : i32
    %dma_start3A_113 = arith.constant 1 : i32
    %dma_start3A_114 = arith.constant 0 : i32
    %dma_start3A_115 = arith.constant 0 : i32
    %dma_start3A_116 = tpu.memref_slice %arg6[%dma_start3A_112, %dma_start3A_114, %dma_start3A_115] : memref<5x128x128xf32, #tpu.memory_space<vmem>> -> memref<1x128x128xf32, #tpu.memory_space<vmem>>
    %dma_start3A_117 = tpu.memref_squeeze %dma_start3A_116 : memref<1x128x128xf32, #tpu.memory_space<vmem>> -> memref<128x128xf32, #tpu.memory_space<vmem>>
    %dma_start3A_118 = arith.constant 0 : i32
    %dma_start3A_119 = tpu.memref_slice %arg4[%add3A_111, %dma_start3A_118] : memref<204800x128xf32, #tpu.memory_space<hbm>> -> memref<128x128xf32, #tpu.memory_space<hbm>>
    %dma_start3A_120 = tpu.memref_slice %arg8[%dma_start3A_113] : memref<5x!tpu.dma_semaphore, #tpu.memory_space<semaphore_mem>> -> memref<1x!tpu.dma_semaphore, #tpu.memory_space<semaphore_mem>>
    %dma_start3A_121 = tpu.memref_squeeze %dma_start3A_120 : memref<1x!tpu.dma_semaphore, #tpu.memory_space<semaphore_mem>> -> memref<!tpu.dma_semaphore, #tpu.memory_space<semaphore_mem>>
    %dma_start3A_122 = arith.constant 0 : i32
    %dma_start3A_123 = tpu.memref_slice %arg4[%add3A_111, %dma_start3A_122] : memref<204800x128xf32, #tpu.memory_space<hbm>> -> memref<128x128xf32, #tpu.memory_space<hbm>>
    %dma_start3A_124 = arith.constant 0 : i32
    %dma_start3A_125 = arith.constant 0 : i32
    %dma_start3A_126 = tpu.memref_slice %arg6[%dma_start3A_112, %dma_start3A_124, %dma_start3A_125] : memref<5x128x128xf32, #tpu.memory_space<vmem>> -> memref<1x128x128xf32, #tpu.memory_space<vmem>>
    %dma_start3A_127 = tpu.memref_squeeze %dma_start3A_126 : memref<1x128x128xf32, #tpu.memory_space<vmem>> -> memref<128x128xf32, #tpu.memory_space<vmem>>
    tpu.enqueue_dma source(%dma_start3A_127 : memref<128x128xf32, #tpu.memory_space<vmem>>) target(%dma_start3A_123 : memref<128x128xf32, #tpu.memory_space<hbm>>) target_semaphore(%dma_start3A_121 : memref<!tpu.dma_semaphore, #tpu.memory_space<semaphore_mem>>)
    %dma_wait3A_128 = arith.constant 0 : i32
    %dma_wait3A_129 = arith.constant 0 : i32
    %dma_wait3A_130 = arith.constant 0 : i32
    %dma_wait3A_131 = arith.constant 0 : i32
    %dma_wait3A_132 = tpu.memref_slice %arg6[%dma_wait3A_128, %dma_wait3A_130, %dma_wait3A_131] : memref<5x128x128xf32, #tpu.memory_space<vmem>> -> memref<1x128x128xf32, #tpu.memory_space<vmem>>
    %dma_wait3A_133 = tpu.memref_squeeze %dma_wait3A_132 : memref<1x128x128xf32, #tpu.memory_space<vmem>> -> memref<128x128xf32, #tpu.memory_space<vmem>>
    %dma_wait3A_134 = arith.constant 0 : i32
    %dma_wait3A_135 = tpu.memref_slice %arg4[%mul3A_2, %dma_wait3A_134] : memref<204800x128xf32, #tpu.memory_space<hbm>> -> memref<128x128xf32, #tpu.memory_space<hbm>>
    %dma_wait3A_136 = tpu.memref_slice %arg8[%dma_wait3A_129] : memref<5x!tpu.dma_semaphore, #tpu.memory_space<semaphore_mem>> -> memref<1x!tpu.dma_semaphore, #tpu.memory_space<semaphore_mem>>
    %dma_wait3A_137 = tpu.memref_squeeze %dma_wait3A_136 : memref<1x!tpu.dma_semaphore, #tpu.memory_space<semaphore_mem>> -> memref<!tpu.dma_semaphore, #tpu.memory_space<semaphore_mem>>
    %dma_wait3A_138 = arith.constant 0 : i32
    %dma_wait3A_139 = tpu.memref_slice %arg4[%mul3A_2, %dma_wait3A_138] : memref<204800x128xf32, #tpu.memory_space<hbm>> -> memref<128x128xf32, #tpu.memory_space<hbm>>
    %dma_wait3A_140 = arith.constant 0 : i32
    %dma_wait3A_141 = arith.constant 0 : i32
    %dma_wait3A_142 = tpu.memref_slice %arg6[%dma_wait3A_128, %dma_wait3A_140, %dma_wait3A_141] : memref<5x128x128xf32, #tpu.memory_space<vmem>> -> memref<1x128x128xf32, #tpu.memory_space<vmem>>
    %dma_wait3A_143 = tpu.memref_squeeze %dma_wait3A_142 : memref<1x128x128xf32, #tpu.memory_space<vmem>> -> memref<128x128xf32, #tpu.memory_space<vmem>>
    tpu.wait_dma2 semaphore(%dma_wait3A_137 : memref<!tpu.dma_semaphore, #tpu.memory_space<semaphore_mem>>) src(%dma_wait3A_143 : memref<128x128xf32, #tpu.memory_space<vmem>>) dst(%dma_wait3A_139 : memref<128x128xf32, #tpu.memory_space<hbm>>)
    %dma_start3A_144 = arith.constant 0 : i32
    %dma_start3A_145 = arith.constant 0 : i32
    %dma_start3A_146 = arith.constant 0 : i32
    %dma_start3A_147 = arith.constant 0 : i32
    %dma_start3A_148 = tpu.memref_slice %arg6[%dma_start3A_144, %dma_start3A_146, %dma_start3A_147] : memref<5x128x128xf32, #tpu.memory_space<vmem>> -> memref<1x128x128xf32, #tpu.memory_space<vmem>>
    %dma_start3A_149 = tpu.memref_squeeze %dma_start3A_148 : memref<1x128x128xf32, #tpu.memory_space<vmem>> -> memref<128x128xf32, #tpu.memory_space<vmem>>
    %dma_start3A_150 = arith.constant 640 : i32
    %dma_start3A_151 = tpu.memref_slice %arg5[%dma_start3A_150] : memref<6400xi32, #tpu.memory_space<vmem>> -> memref<128xi32, #tpu.memory_space<vmem>>
    %dma_start3A_152 = arith.constant 0 : i32
    %dma_start3A_153 = arith.constant 0 : i32
    %dma_start3A_154 = tpu.memref_slice %arg2[%dma_start3A_152, %dma_start3A_153] : memref<100000x128xf32, #tpu.memory_space<hbm>> -> memref<100000x128xf32, #tpu.memory_space<hbm>>
    %dma_start3A_155 = tpu.memref_slice %arg7[%dma_start3A_145] : memref<5x!tpu.dma_semaphore, #tpu.memory_space<semaphore_mem>> -> memref<1x!tpu.dma_semaphore, #tpu.memory_space<semaphore_mem>>
    %dma_start3A_156 = tpu.memref_squeeze %dma_start3A_155 : memref<1x!tpu.dma_semaphore, #tpu.memory_space<semaphore_mem>> -> memref<!tpu.dma_semaphore, #tpu.memory_space<semaphore_mem>>
    tpu.enqueue_indirect_dma source(%dma_start3A_154 : memref<100000x128xf32, #tpu.memory_space<hbm>>) target(%dma_start3A_149 : memref<128x128xf32, #tpu.memory_space<vmem>>) offsets(%dma_start3A_151 : memref<128xi32, #tpu.memory_space<vmem>>) semaphore(%dma_start3A_156 : memref<!tpu.dma_semaphore, #tpu.memory_space<semaphore_mem>>)
    %dma_wait3A_157 = arith.constant 2 : i32
    %dma_wait3A_158 = arith.constant 2 : i32
    %dma_wait3A_159 = arith.constant 0 : i32
    %dma_wait3A_160 = arith.constant 0 : i32
    %dma_wait3A_161 = tpu.memref_slice %arg6[%dma_wait3A_157, %dma_wait3A_159, %dma_wait3A_160] : memref<5x128x128xf32, #tpu.memory_space<vmem>> -> memref<1x128x128xf32, #tpu.memory_space<vmem>>
    %dma_wait3A_162 = tpu.memref_squeeze %dma_wait3A_161 : memref<1x128x128xf32, #tpu.memory_space<vmem>> -> memref<128x128xf32, #tpu.memory_space<vmem>>
    %dma_wait3A_163 = arith.constant 0 : i32
    %dma_wait3A_164 = tpu.memref_slice %arg5[%dma_wait3A_163] : memref<6400xi32, #tpu.memory_space<vmem>> -> memref<128xi32, #tpu.memory_space<vmem>>
    %dma_wait3A_165 = arith.constant 0 : i32
    %dma_wait3A_166 = arith.constant 0 : i32
    %dma_wait3A_167 = tpu.memref_slice %arg2[%dma_wait3A_165, %dma_wait3A_166] : memref<100000x128xf32, #tpu.memory_space<hbm>> -> memref<100000x128xf32, #tpu.memory_space<hbm>>
    %dma_wait3A_168 = tpu.memref_slice %arg7[%dma_wait3A_158] : memref<5x!tpu.dma_semaphore, #tpu.memory_space<semaphore_mem>> -> memref<1x!tpu.dma_semaphore, #tpu.memory_space<semaphore_mem>>
    %dma_wait3A_169 = tpu.memref_squeeze %dma_wait3A_168 : memref<1x!tpu.dma_semaphore, #tpu.memory_space<semaphore_mem>> -> memref<!tpu.dma_semaphore, #tpu.memory_space<semaphore_mem>>
    tpu.wait_indirect_dma semaphore(%dma_wait3A_169 : memref<!tpu.dma_semaphore, #tpu.memory_space<semaphore_mem>>) src(%dma_wait3A_167 : memref<100000x128xf32, #tpu.memory_space<hbm>>) dst(%dma_wait3A_162 : memref<128x128xf32, #tpu.memory_space<vmem>>)
    %add3A_170 = arith.constant 256 : i32
    %add3A_171 = arith.addi %mul3A_2, %add3A_170 : i32
    %dma_start3A_172 = arith.constant 2 : i32
    %dma_start3A_173 = arith.constant 2 : i32
    %dma_start3A_174 = arith.constant 0 : i32
    %dma_start3A_175 = arith.constant 0 : i32
    %dma_start3A_176 = tpu.memref_slice %arg6[%dma_start3A_172, %dma_start3A_174, %dma_start3A_175] : memref<5x128x128xf32, #tpu.memory_space<vmem>> -> memref<1x128x128xf32, #tpu.memory_space<vmem>>
    %dma_start3A_177 = tpu.memref_squeeze %dma_start3A_176 : memref<1x128x128xf32, #tpu.memory_space<vmem>> -> memref<128x128xf32, #tpu.memory_space<vmem>>
    %dma_start3A_178 = arith.constant 0 : i32
    %dma_start3A_179 = tpu.memref_slice %arg4[%add3A_171, %dma_start3A_178] : memref<204800x128xf32, #tpu.memory_space<hbm>> -> memref<128x128xf32, #tpu.memory_space<hbm>>
    %dma_start3A_180 = tpu.memref_slice %arg8[%dma_start3A_173] : memref<5x!tpu.dma_semaphore, #tpu.memory_space<semaphore_mem>> -> memref<1x!tpu.dma_semaphore, #tpu.memory_space<semaphore_mem>>
    %dma_start3A_181 = tpu.memref_squeeze %dma_start3A_180 : memref<1x!tpu.dma_semaphore, #tpu.memory_space<semaphore_mem>> -> memref<!tpu.dma_semaphore, #tpu.memory_space<semaphore_mem>>
    %dma_start3A_182 = arith.constant 0 : i32
    %dma_start3A_183 = tpu.memref_slice %arg4[%add3A_171, %dma_start3A_182] : memref<204800x128xf32, #tpu.memory_space<hbm>> -> memref<128x128xf32, #tpu.memory_space<hbm>>
    %dma_start3A_184 = arith.constant 0 : i32
    %dma_start3A_185 = arith.constant 0 : i32
    %dma_start3A_186 = tpu.memref_slice %arg6[%dma_start3A_172, %dma_start3A_184, %dma_start3A_185] : memref<5x128x128xf32, #tpu.memory_space<vmem>> -> memref<1x128x128xf32, #tpu.memory_space<vmem>>
    %dma_start3A_187 = tpu.memref_squeeze %dma_start3A_186 : memref<1x128x128xf32, #tpu.memory_space<vmem>> -> memref<128x128xf32, #tpu.memory_space<vmem>>
    tpu.enqueue_dma source(%dma_start3A_187 : memref<128x128xf32, #tpu.memory_space<vmem>>) target(%dma_start3A_183 : memref<128x128xf32, #tpu.memory_space<hbm>>) target_semaphore(%dma_start3A_181 : memref<!tpu.dma_semaphore, #tpu.memory_space<semaphore_mem>>)
    %dma_wait3A_188 = arith.constant 1 : i32
    %dma_wait3A_189 = arith.constant 1 : i32
    %dma_wait3A_190 = arith.constant 0 : i32
    %dma_wait3A_191 = arith.constant 0 : i32
    %dma_wait3A_192 = tpu.memref_slice %arg6[%dma_wait3A_188, %dma_wait3A_190, %dma_wait3A_191] : memref<5x128x128xf32, #tpu.memory_space<vmem>> -> memref<1x128x128xf32, #tpu.memory_space<vmem>>
    %dma_wait3A_193 = tpu.memref_squeeze %dma_wait3A_192 : memref<1x128x128xf32, #tpu.memory_space<vmem>> -> memref<128x128xf32, #tpu.memory_space<vmem>>
    %dma_wait3A_194 = arith.constant 0 : i32
    %dma_wait3A_195 = tpu.memref_slice %arg4[%mul3A_2, %dma_wait3A_194] : memref<204800x128xf32, #tpu.memory_space<hbm>> -> memref<128x128xf32, #tpu.memory_space<hbm>>
    %dma_wait3A_196 = tpu.memref_slice %arg8[%dma_wait3A_189] : memref<5x!tpu.dma_semaphore, #tpu.memory_space<semaphore_mem>> -> memref<1x!tpu.dma_semaphore, #tpu.memory_space<semaphore_mem>>
    %dma_wait3A_197 = tpu.memref_squeeze %dma_wait3A_196 : memref<1x!tpu.dma_semaphore, #tpu.memory_space<semaphore_mem>> -> memref<!tpu.dma_semaphore, #tpu.memory_space<semaphore_mem>>
    %dma_wait3A_198 = arith.constant 0 : i32
    %dma_wait3A_199 = tpu.memref_slice %arg4[%mul3A_2, %dma_wait3A_198] : memref<204800x128xf32, #tpu.memory_space<hbm>> -> memref<128x128xf32, #tpu.memory_space<hbm>>
    %dma_wait3A_200 = arith.constant 0 : i32
    %dma_wait3A_201 = arith.constant 0 : i32
    %dma_wait3A_202 = tpu.memref_slice %arg6[%dma_wait3A_188, %dma_wait3A_200, %dma_wait3A_201] : memref<5x128x128xf32, #tpu.memory_space<vmem>> -> memref<1x128x128xf32, #tpu.memory_space<vmem>>
    %dma_wait3A_203 = tpu.memref_squeeze %dma_wait3A_202 : memref<1x128x128xf32, #tpu.memory_space<vmem>> -> memref<128x128xf32, #tpu.memory_space<vmem>>
    tpu.wait_dma2 semaphore(%dma_wait3A_197 : memref<!tpu.dma_semaphore, #tpu.memory_space<semaphore_mem>>) src(%dma_wait3A_203 : memref<128x128xf32, #tpu.memory_space<vmem>>) dst(%dma_wait3A_199 : memref<128x128xf32, #tpu.memory_space<hbm>>)
    %dma_start3A_204 = arith.constant 1 : i32
    %dma_start3A_205 = arith.constant 1 : i32
    %dma_start3A_206 = arith.constant 0 : i32
    %dma_start3A_207 = arith.constant 0 : i32
    %dma_start3A_208 = tpu.memref_slice %arg6[%dma_start3A_204, %dma_start3A_206, %dma_start3A_207] : memref<5x128x128xf32, #tpu.memory_space<vmem>> -> memref<1x128x128xf32, #tpu.memory_space<vmem>>
    %dma_start3A_209 = tpu.memref_squeeze %dma_start3A_208 : memref<1x128x128xf32, #tpu.memory_space<vmem>> -> memref<128x128xf32, #tpu.memory_space<vmem>>
    %dma_start3A_210 = arith.constant 768 : i32
    %dma_start3A_211 = tpu.memref_slice %arg5[%dma_start3A_210] : memref<6400xi32, #tpu.memory_space<vmem>> -> memref<128xi32, #tpu.memory_space<vmem>>
    %dma_start3A_212 = arith.constant 0 : i32
    %dma_start3A_213 = arith.constant 0 : i32
    %dma_start3A_214 = tpu.memref_slice %arg2[%dma_start3A_212, %dma_start3A_213] : memref<100000x128xf32, #tpu.memory_space<hbm>> -> memref<100000x128xf32, #tpu.memory_space<hbm>>
    %dma_start3A_215 = tpu.memref_slice %arg7[%dma_start3A_205] : memref<5x!tpu.dma_semaphore, #tpu.memory_space<semaphore_mem>> -> memref<1x!tpu.dma_semaphore, #tpu.memory_space<semaphore_mem>>
    %dma_start3A_216 = tpu.memref_squeeze %dma_start3A_215 : memref<1x!tpu.dma_semaphore, #tpu.memory_space<semaphore_mem>> -> memref<!tpu.dma_semaphore, #tpu.memory_space<semaphore_mem>>
    tpu.enqueue_indirect_dma source(%dma_start3A_214 : memref<100000x128xf32, #tpu.memory_space<hbm>>) target(%dma_start3A_209 : memref<128x128xf32, #tpu.memory_space<vmem>>) offsets(%dma_start3A_211 : memref<128xi32, #tpu.memory_space<vmem>>) semaphore(%dma_start3A_216 : memref<!tpu.dma_semaphore, #tpu.memory_space<semaphore_mem>>)
    %dma_wait3A_217 = arith.constant 3 : i32
    %dma_wait3A_218 = arith.constant 3 : i32
    %dma_wait3A_219 = arith.constant 0 : i32
    %dma_wait3A_220 = arith.constant 0 : i32
    %dma_wait3A_221 = tpu.memref_slice %arg6[%dma_wait3A_217, %dma_wait3A_219, %dma_wait3A_220] : memref<5x128x128xf32, #tpu.memory_space<vmem>> -> memref<1x128x128xf32, #tpu.memory_space<vmem>>
    %dma_wait3A_222 = tpu.memref_squeeze %dma_wait3A_221 : memref<1x128x128xf32, #tpu.memory_space<vmem>> -> memref<128x128xf32, #tpu.memory_space<vmem>>
    %dma_wait3A_223 = arith.constant 0 : i32
    %dma_wait3A_224 = tpu.memref_slice %arg5[%dma_wait3A_223] : memref<6400xi32, #tpu.memory_space<vmem>> -> memref<128xi32, #tpu.memory_space<vmem>>
    %dma_wait3A_225 = arith.constant 0 : i32
    %dma_wait3A_226 = arith.constant 0 : i32
    %dma_wait3A_227 = tpu.memref_slice %arg2[%dma_wait3A_225, %dma_wait3A_226] : memref<100000x128xf32, #tpu.memory_space<hbm>> -> memref<100000x128xf32, #tpu.memory_space<hbm>>
    %dma_wait3A_228 = tpu.memref_slice %arg7[%dma_wait3A_218] : memref<5x!tpu.dma_semaphore, #tpu.memory_space<semaphore_mem>> -> memref<1x!tpu.dma_semaphore, #tpu.memory_space<semaphore_mem>>
    %dma_wait3A_229 = tpu.memref_squeeze %dma_wait3A_228 : memref<1x!tpu.dma_semaphore, #tpu.memory_space<semaphore_mem>> -> memref<!tpu.dma_semaphore, #tpu.memory_space<semaphore_mem>>
    tpu.wait_indirect_dma semaphore(%dma_wait3A_229 : memref<!tpu.dma_semaphore, #tpu.memory_space<semaphore_mem>>) src(%dma_wait3A_227 : memref<100000x128xf32, #tpu.memory_space<hbm>>) dst(%dma_wait3A_222 : memref<128x128xf32, #tpu.memory_space<vmem>>)
    %add3A_230 = arith.constant 384 : i32
    %add3A_231 = arith.addi %mul3A_2, %add3A_230 : i32
    %dma_start3A_232 = arith.constant 3 : i32
    %dma_start3A_233 = arith.constant 3 : i32
    %dma_start3A_234 = arith.constant 0 : i32
    %dma_start3A_235 = arith.constant 0 : i32
    %dma_start3A_236 = tpu.memref_slice %arg6[%dma_start3A_232, %dma_start3A_234, %dma_start3A_235] : memref<5x128x128xf32, #tpu.memory_space<vmem>> -> memref<1x128x128xf32, #tpu.memory_space<vmem>>
    %dma_start3A_237 = tpu.memref_squeeze %dma_start3A_236 : memref<1x128x128xf32, #tpu.memory_space<vmem>> -> memref<128x128xf32, #tpu.memory_space<vmem>>
    %dma_start3A_238 = arith.constant 0 : i32
    %dma_start3A_239 = tpu.memref_slice %arg4[%add3A_231, %dma_start3A_238] : memref<204800x128xf32, #tpu.memory_space<hbm>> -> memref<128x128xf32, #tpu.memory_space<hbm>>
    %dma_start3A_240 = tpu.memref_slice %arg8[%dma_start3A_233] : memref<5x!tpu.dma_semaphore, #tpu.memory_space<semaphore_mem>> -> memref<1x!tpu.dma_semaphore, #tpu.memory_space<semaphore_mem>>
    %dma_start3A_241 = tpu.memref_squeeze %dma_start3A_240 : memref<1x!tpu.dma_semaphore, #tpu.memory_space<semaphore_mem>> -> memref<!tpu.dma_semaphore, #tpu.memory_space<semaphore_mem>>
    %dma_start3A_242 = arith.constant 0 : i32
    %dma_start3A_243 = tpu.memref_slice %arg4[%add3A_231, %dma_start3A_242] : memref<204800x128xf32, #tpu.memory_space<hbm>> -> memref<128x128xf32, #tpu.memory_space<hbm>>
    %dma_start3A_244 = arith.constant 0 : i32
    %dma_start3A_245 = arith.constant 0 : i32
    %dma_start3A_246 = tpu.memref_slice %arg6[%dma_start3A_232, %dma_start3A_244, %dma_start3A_245] : memref<5x128x128xf32, #tpu.memory_space<vmem>> -> memref<1x128x128xf32, #tpu.memory_space<vmem>>
    %dma_start3A_247 = tpu.memref_squeeze %dma_start3A_246 : memref<1x128x128xf32, #tpu.memory_space<vmem>> -> memref<128x128xf32, #tpu.memory_space<vmem>>
    tpu.enqueue_dma source(%dma_start3A_247 : memref<128x128xf32, #tpu.memory_space<vmem>>) target(%dma_start3A_243 : memref<128x128xf32, #tpu.memory_space<hbm>>) target_semaphore(%dma_start3A_241 : memref<!tpu.dma_semaphore, #tpu.memory_space<semaphore_mem>>)
    %dma_wait3A_248 = arith.constant 2 : i32
    %dma_wait3A_249 = arith.constant 2 : i32
    %dma_wait3A_250 = arith.constant 0 : i32
    %dma_wait3A_251 = arith.constant 0 : i32
    %dma_wait3A_252 = tpu.memref_slice %arg6[%dma_wait3A_248, %dma_wait3A_250, %dma_wait3A_251] : memref<5x128x128xf32, #tpu.memory_space<vmem>> -> memref<1x128x128xf32, #tpu.memory_space<vmem>>
    %dma_wait3A_253 = tpu.memref_squeeze %dma_wait3A_252 : memref<1x128x128xf32, #tpu.memory_space<vmem>> -> memref<128x128xf32, #tpu.memory_space<vmem>>
    %dma_wait3A_254 = arith.constant 0 : i32
    %dma_wait3A_255 = tpu.memref_slice %arg4[%mul3A_2, %dma_wait3A_254] : memref<204800x128xf32, #tpu.memory_space<hbm>> -> memref<128x128xf32, #tpu.memory_space<hbm>>
    %dma_wait3A_256 = tpu.memref_slice %arg8[%dma_wait3A_249] : memref<5x!tpu.dma_semaphore, #tpu.memory_space<semaphore_mem>> -> memref<1x!tpu.dma_semaphore, #tpu.memory_space<semaphore_mem>>
    %dma_wait3A_257 = tpu.memref_squeeze %dma_wait3A_256 : memref<1x!tpu.dma_semaphore, #tpu.memory_space<semaphore_mem>> -> memref<!tpu.dma_semaphore, #tpu.memory_space<semaphore_mem>>
    %dma_wait3A_258 = arith.constant 0 : i32
    %dma_wait3A_259 = tpu.memref_slice %arg4[%mul3A_2, %dma_wait3A_258] : memref<204800x128xf32, #tpu.memory_space<hbm>> -> memref<128x128xf32, #tpu.memory_space<hbm>>
    %dma_wait3A_260 = arith.constant 0 : i32
    %dma_wait3A_261 = arith.constant 0 : i32
    %dma_wait3A_262 = tpu.memref_slice %arg6[%dma_wait3A_248, %dma_wait3A_260, %dma_wait3A_261] : memref<5x128x128xf32, #tpu.memory_space<vmem>> -> memref<1x128x128xf32, #tpu.memory_space<vmem>>
    %dma_wait3A_263 = tpu.memref_squeeze %dma_wait3A_262 : memref<1x128x128xf32, #tpu.memory_space<vmem>> -> memref<128x128xf32, #tpu.memory_space<vmem>>
    tpu.wait_dma2 semaphore(%dma_wait3A_257 : memref<!tpu.dma_semaphore, #tpu.memory_space<semaphore_mem>>) src(%dma_wait3A_263 : memref<128x128xf32, #tpu.memory_space<vmem>>) dst(%dma_wait3A_259 : memref<128x128xf32, #tpu.memory_space<hbm>>)
    %dma_start3A_264 = arith.constant 2 : i32
    %dma_start3A_265 = arith.constant 2 : i32
    %dma_start3A_266 = arith.constant 0 : i32
    %dma_start3A_267 = arith.constant 0 : i32
    %dma_start3A_268 = tpu.memref_slice %arg6[%dma_start3A_264, %dma_start3A_266, %dma_start3A_267] : memref<5x128x128xf32, #tpu.memory_space<vmem>> -> memref<1x128x128xf32, #tpu.memory_space<vmem>>
    %dma_start3A_269 = tpu.memref_squeeze %dma_start3A_268 : memref<1x128x128xf32, #tpu.memory_space<vmem>> -> memref<128x128xf32, #tpu.memory_space<vmem>>
    %dma_start3A_270 = arith.constant 896 : i32
    %dma_start3A_271 = tpu.memref_slice %arg5[%dma_start3A_270] : memref<6400xi32, #tpu.memory_space<vmem>> -> memref<128xi32, #tpu.memory_space<vmem>>
    %dma_start3A_272 = arith.constant 0 : i32
    %dma_start3A_273 = arith.constant 0 : i32
    %dma_start3A_274 = tpu.memref_slice %arg2[%dma_start3A_272, %dma_start3A_273] : memref<100000x128xf32, #tpu.memory_space<hbm>> -> memref<100000x128xf32, #tpu.memory_space<hbm>>
    %dma_start3A_275 = tpu.memref_slice %arg7[%dma_start3A_265] : memref<5x!tpu.dma_semaphore, #tpu.memory_space<semaphore_mem>> -> memref<1x!tpu.dma_semaphore, #tpu.memory_space<semaphore_mem>>
    %dma_start3A_276 = tpu.memref_squeeze %dma_start3A_275 : memref<1x!tpu.dma_semaphore, #tpu.memory_space<semaphore_mem>> -> memref<!tpu.dma_semaphore, #tpu.memory_space<semaphore_mem>>
    tpu.enqueue_indirect_dma source(%dma_start3A_274 : memref<100000x128xf32, #tpu.memory_space<hbm>>) target(%dma_start3A_269 : memref<128x128xf32, #tpu.memory_space<vmem>>) offsets(%dma_start3A_271 : memref<128xi32, #tpu.memory_space<vmem>>) semaphore(%dma_start3A_276 : memref<!tpu.dma_semaphore, #tpu.memory_space<semaphore_mem>>)
    %dma_wait3A_277 = arith.constant 4 : i32
    %dma_wait3A_278 = arith.constant 4 : i32
    %dma_wait3A_279 = arith.constant 0 : i32
    %dma_wait3A_280 = arith.constant 0 : i32
    %dma_wait3A_281 = tpu.memref_slice %arg6[%dma_wait3A_277, %dma_wait3A_279, %dma_wait3A_280] : memref<5x128x128xf32, #tpu.memory_space<vmem>> -> memref<1x128x128xf32, #tpu.memory_space<vmem>>
    %dma_wait3A_282 = tpu.memref_squeeze %dma_wait3A_281 : memref<1x128x128xf32, #tpu.memory_space<vmem>> -> memref<128x128xf32, #tpu.memory_space<vmem>>
    %dma_wait3A_283 = arith.constant 0 : i32
    %dma_wait3A_284 = tpu.memref_slice %arg5[%dma_wait3A_283] : memref<6400xi32, #tpu.memory_space<vmem>> -> memref<128xi32, #tpu.memory_space<vmem>>
    %dma_wait3A_285 = arith.constant 0 : i32
    %dma_wait3A_286 = arith.constant 0 : i32
    %dma_wait3A_287 = tpu.memref_slice %arg2[%dma_wait3A_285, %dma_wait3A_286] : memref<100000x128xf32, #tpu.memory_space<hbm>> -> memref<100000x128xf32, #tpu.memory_space<hbm>>
    %dma_wait3A_288 = tpu.memref_slice %arg7[%dma_wait3A_278] : memref<5x!tpu.dma_semaphore, #tpu.memory_space<semaphore_mem>> -> memref<1x!tpu.dma_semaphore, #tpu.memory_space<semaphore_mem>>
    %dma_wait3A_289 = tpu.memref_squeeze %dma_wait3A_288 : memref<1x!tpu.dma_semaphore, #tpu.memory_space<semaphore_mem>> -> memref<!tpu.dma_semaphore, #tpu.memory_space<semaphore_mem>>
    tpu.wait_indirect_dma semaphore(%dma_wait3A_289 : memref<!tpu.dma_semaphore, #tpu.memory_space<semaphore_mem>>) src(%dma_wait3A_287 : memref<100000x128xf32, #tpu.memory_space<hbm>>) dst(%dma_wait3A_282 : memref<128x128xf32, #tpu.memory_space<vmem>>)
    %add3A_290 = arith.constant 512 : i32
    %add3A_291 = arith.addi %mul3A_2, %add3A_290 : i32
    %dma_start3A_292 = arith.constant 4 : i32
    %dma_start3A_293 = arith.constant 4 : i32
    %dma_start3A_294 = arith.constant 0 : i32
    %dma_start3A_295 = arith.constant 0 : i32
    %dma_start3A_296 = tpu.memref_slice %arg6[%dma_start3A_292, %dma_start3A_294, %dma_start3A_295] : memref<5x128x128xf32, #tpu.memory_space<vmem>> -> memref<1x128x128xf32, #tpu.memory_space<vmem>>
    %dma_start3A_297 = tpu.memref_squeeze %dma_start3A_296 : memref<1x128x128xf32, #tpu.memory_space<vmem>> -> memref<128x128xf32, #tpu.memory_space<vmem>>
    %dma_start3A_298 = arith.constant 0 : i32
    %dma_start3A_299 = tpu.memref_slice %arg4[%add3A_291, %dma_start3A_298] : memref<204800x128xf32, #tpu.memory_space<hbm>> -> memref<128x128xf32, #tpu.memory_space<hbm>>
    %dma_start3A_300 = tpu.memref_slice %arg8[%dma_start3A_293] : memref<5x!tpu.dma_semaphore, #tpu.memory_space<semaphore_mem>> -> memref<1x!tpu.dma_semaphore, #tpu.memory_space<semaphore_mem>>
    %dma_start3A_301 = tpu.memref_squeeze %dma_start3A_300 : memref<1x!tpu.dma_semaphore, #tpu.memory_space<semaphore_mem>> -> memref<!tpu.dma_semaphore, #tpu.memory_space<semaphore_mem>>
    %dma_start3A_302 = arith.constant 0 : i32
    %dma_start3A_303 = tpu.memref_slice %arg4[%add3A_291, %dma_start3A_302] : memref<204800x128xf32, #tpu.memory_space<hbm>> -> memref<128x128xf32, #tpu.memory_space<hbm>>
    %dma_start3A_304 = arith.constant 0 : i32
    %dma_start3A_305 = arith.constant 0 : i32
    %dma_start3A_306 = tpu.memref_slice %arg6[%dma_start3A_292, %dma_start3A_304, %dma_start3A_305] : memref<5x128x128xf32, #tpu.memory_space<vmem>> -> memref<1x128x128xf32, #tpu.memory_space<vmem>>
    %dma_start3A_307 = tpu.memref_squeeze %dma_start3A_306 : memref<1x128x128xf32, #tpu.memory_space<vmem>> -> memref<128x128xf32, #tpu.memory_space<vmem>>
    tpu.enqueue_dma source(%dma_start3A_307 : memref<128x128xf32, #tpu.memory_space<vmem>>) target(%dma_start3A_303 : memref<128x128xf32, #tpu.memory_space<hbm>>) target_semaphore(%dma_start3A_301 : memref<!tpu.dma_semaphore, #tpu.memory_space<semaphore_mem>>)
    %dma_wait3A_308 = arith.constant 3 : i32
    %dma_wait3A_309 = arith.constant 3 : i32
    %dma_wait3A_310 = arith.constant 0 : i32
    %dma_wait3A_311 = arith.constant 0 : i32
    %dma_wait3A_312 = tpu.memref_slice %arg6[%dma_wait3A_308, %dma_wait3A_310, %dma_wait3A_311] : memref<5x128x128xf32, #tpu.memory_space<vmem>> -> memref<1x128x128xf32, #tpu.memory_space<vmem>>
    %dma_wait3A_313 = tpu.memref_squeeze %dma_wait3A_312 : memref<1x128x128xf32, #tpu.memory_space<vmem>> -> memref<128x128xf32, #tpu.memory_space<vmem>>
    %dma_wait3A_314 = arith.constant 0 : i32
    %dma_wait3A_315 = tpu.memref_slice %arg4[%mul3A_2, %dma_wait3A_314] : memref<204800x128xf32, #tpu.memory_space<hbm>> -> memref<128x128xf32, #tpu.memory_space<hbm>>
    %dma_wait3A_316 = tpu.memref_slice %arg8[%dma_wait3A_309] : memref<5x!tpu.dma_semaphore, #tpu.memory_space<semaphore_mem>> -> memref<1x!tpu.dma_semaphore, #tpu.memory_space<semaphore_mem>>
    %dma_wait3A_317 = tpu.memref_squeeze %dma_wait3A_316 : memref<1x!tpu.dma_semaphore, #tpu.memory_space<semaphore_mem>> -> memref<!tpu.dma_semaphore, #tpu.memory_space<semaphore_mem>>
    %dma_wait3A_318 = arith.constant 0 : i32
    %dma_wait3A_319 = tpu.memref_slice %arg4[%mul3A_2, %dma_wait3A_318] : memref<204800x128xf32, #tpu.memory_space<hbm>> -> memref<128x128xf32, #tpu.memory_space<hbm>>
    %dma_wait3A_320 = arith.constant 0 : i32
    %dma_wait3A_321 = arith.constant 0 : i32
    %dma_wait3A_322 = tpu.memref_slice %arg6[%dma_wait3A_308, %dma_wait3A_320, %dma_wait3A_321] : memref<5x128x128xf32, #tpu.memory_space<vmem>> -> memref<1x128x128xf32, #tpu.memory_space<vmem>>
    %dma_wait3A_323 = tpu.memref_squeeze %dma_wait3A_322 : memref<1x128x128xf32, #tpu.memory_space<vmem>> -> memref<128x128xf32, #tpu.memory_space<vmem>>
    tpu.wait_dma2 semaphore(%dma_wait3A_317 : memref<!tpu.dma_semaphore, #tpu.memory_space<semaphore_mem>>) src(%dma_wait3A_323 : memref<128x128xf32, #tpu.memory_space<vmem>>) dst(%dma_wait3A_319 : memref<128x128xf32, #tpu.memory_space<hbm>>)
    %dma_start3A_324 = arith.constant 3 : i32
    %dma_start3A_325 = arith.constant 3 : i32
    %dma_start3A_326 = arith.constant 0 : i32
    %dma_start3A_327 = arith.constant 0 : i32
    %dma_start3A_328 = tpu.memref_slice %arg6[%dma_start3A_324, %dma_start3A_326, %dma_start3A_327] : memref<5x128x128xf32, #tpu.memory_space<vmem>> -> memref<1x128x128xf32, #tpu.memory_space<vmem>>
    %dma_start3A_329 = tpu.memref_squeeze %dma_start3A_328 : memref<1x128x128xf32, #tpu.memory_space<vmem>> -> memref<128x128xf32, #tpu.memory_space<vmem>>
    %dma_start3A_330 = arith.constant 1024 : i32
    %dma_start3A_331 = tpu.memref_slice %arg5[%dma_start3A_330] : memref<6400xi32, #tpu.memory_space<vmem>> -> memref<128xi32, #tpu.memory_space<vmem>>
    %dma_start3A_332 = arith.constant 0 : i32
    %dma_start3A_333 = arith.constant 0 : i32
    %dma_start3A_334 = tpu.memref_slice %arg2[%dma_start3A_332, %dma_start3A_333] : memref<100000x128xf32, #tpu.memory_space<hbm>> -> memref<100000x128xf32, #tpu.memory_space<hbm>>
    %dma_start3A_335 = tpu.memref_slice %arg7[%dma_start3A_325] : memref<5x!tpu.dma_semaphore, #tpu.memory_space<semaphore_mem>> -> memref<1x!tpu.dma_semaphore, #tpu.memory_space<semaphore_mem>>
    %dma_start3A_336 = tpu.memref_squeeze %dma_start3A_335 : memref<1x!tpu.dma_semaphore, #tpu.memory_space<semaphore_mem>> -> memref<!tpu.dma_semaphore, #tpu.memory_space<semaphore_mem>>
    tpu.enqueue_indirect_dma source(%dma_start3A_334 : memref<100000x128xf32, #tpu.memory_space<hbm>>) target(%dma_start3A_329 : memref<128x128xf32, #tpu.memory_space<vmem>>) offsets(%dma_start3A_331 : memref<128xi32, #tpu.memory_space<vmem>>) semaphore(%dma_start3A_336 : memref<!tpu.dma_semaphore, #tpu.memory_space<semaphore_mem>>)
    %scan3A = arith.constant 0 : i32
    %scan3A_337 = arith.constant 1 : i32
    %scan3A_338 = arith.constant 8 : i32
    %scan3A_339 = arith.addi %scan3A_337, %scan3A_338 : i32
    %scan3A_340 = arith.constant 1 : i32
    scf.for %scan3A_606 = %scan3A_337 to %scan3A_339 step %scan3A_340  : i32 {
      %mul3A_607 = arith.constant 5 : i32
      %mul3A_608 = arith.muli %scan3A_606, %mul3A_607 : i32
      %add3A_609 = arith.constant 0 : i32
      %add3A_610 = arith.addi %mul3A_608, %add3A_609 : i32
      %dma_wait3A_611 = arith.constant 0 : i32
      %dma_wait3A_612 = arith.constant 0 : i32
      %dma_wait3A_613 = arith.constant 0 : i32
      %dma_wait3A_614 = arith.constant 0 : i32
      %dma_wait3A_615 = tpu.memref_slice %arg6[%dma_wait3A_611, %dma_wait3A_613, %dma_wait3A_614] : memref<5x128x128xf32, #tpu.memory_space<vmem>> -> memref<1x128x128xf32, #tpu.memory_space<vmem>>
      %dma_wait3A_616 = tpu.memref_squeeze %dma_wait3A_615 : memref<1x128x128xf32, #tpu.memory_space<vmem>> -> memref<128x128xf32, #tpu.memory_space<vmem>>
      %dma_wait3A_617 = arith.constant 0 : i32
      %dma_wait3A_618 = tpu.memref_slice %arg5[%dma_wait3A_617] : memref<6400xi32, #tpu.memory_space<vmem>> -> memref<128xi32, #tpu.memory_space<vmem>>
      %dma_wait3A_619 = arith.constant 0 : i32
      %dma_wait3A_620 = arith.constant 0 : i32
      %dma_wait3A_621 = tpu.memref_slice %arg2[%dma_wait3A_619, %dma_wait3A_620] : memref<100000x128xf32, #tpu.memory_space<hbm>> -> memref<100000x128xf32, #tpu.memory_space<hbm>>
      %dma_wait3A_622 = tpu.memref_slice %arg7[%dma_wait3A_612] : memref<5x!tpu.dma_semaphore, #tpu.memory_space<semaphore_mem>> -> memref<1x!tpu.dma_semaphore, #tpu.memory_space<semaphore_mem>>
      %dma_wait3A_623 = tpu.memref_squeeze %dma_wait3A_622 : memref<1x!tpu.dma_semaphore, #tpu.memory_space<semaphore_mem>> -> memref<!tpu.dma_semaphore, #tpu.memory_space<semaphore_mem>>
      tpu.wait_indirect_dma semaphore(%dma_wait3A_623 : memref<!tpu.dma_semaphore, #tpu.memory_space<semaphore_mem>>) src(%dma_wait3A_621 : memref<100000x128xf32, #tpu.memory_space<hbm>>) dst(%dma_wait3A_616 : memref<128x128xf32, #tpu.memory_space<vmem>>)
      %mul3A_624 = arith.constant 128 : i32
      %mul3A_625 = arith.muli %add3A_610, %mul3A_624 : i32
      %add3A_626 = arith.addi %mul3A_2, %mul3A_625 : i32
      %dma_start3A_627 = arith.constant 0 : i32
      %dma_start3A_628 = arith.constant 0 : i32
      %dma_start3A_629 = arith.constant 0 : i32
      %dma_start3A_630 = arith.constant 0 : i32
      %dma_start3A_631 = tpu.memref_slice %arg6[%dma_start3A_627, %dma_start3A_629, %dma_start3A_630] : memref<5x128x128xf32, #tpu.memory_space<vmem>> -> memref<1x128x128xf32, #tpu.memory_space<vmem>>
      %dma_start3A_632 = tpu.memref_squeeze %dma_start3A_631 : memref<1x128x128xf32, #tpu.memory_space<vmem>> -> memref<128x128xf32, #tpu.memory_space<vmem>>
      %dma_start3A_633 = arith.constant 0 : i32
      %dma_start3A_634 = tpu.memref_slice %arg4[%add3A_626, %dma_start3A_633] : memref<204800x128xf32, #tpu.memory_space<hbm>> -> memref<128x128xf32, #tpu.memory_space<hbm>>
      %dma_start3A_635 = tpu.memref_slice %arg8[%dma_start3A_628] : memref<5x!tpu.dma_semaphore, #tpu.memory_space<semaphore_mem>> -> memref<1x!tpu.dma_semaphore, #tpu.memory_space<semaphore_mem>>
      %dma_start3A_636 = tpu.memref_squeeze %dma_start3A_635 : memref<1x!tpu.dma_semaphore, #tpu.memory_space<semaphore_mem>> -> memref<!tpu.dma_semaphore, #tpu.memory_space<semaphore_mem>>
      %dma_start3A_637 = arith.constant 0 : i32
      %dma_start3A_638 = tpu.memref_slice %arg4[%add3A_626, %dma_start3A_637] : memref<204800x128xf32, #tpu.memory_space<hbm>> -> memref<128x128xf32, #tpu.memory_space<hbm>>
      %dma_start3A_639 = arith.constant 0 : i32
      %dma_start3A_640 = arith.constant 0 : i32
      %dma_start3A_641 = tpu.memref_slice %arg6[%dma_start3A_627, %dma_start3A_639, %dma_start3A_640] : memref<5x128x128xf32, #tpu.memory_space<vmem>> -> memref<1x128x128xf32, #tpu.memory_space<vmem>>
      %dma_start3A_642 = tpu.memref_squeeze %dma_start3A_641 : memref<1x128x128xf32, #tpu.memory_space<vmem>> -> memref<128x128xf32, #tpu.memory_space<vmem>>
      tpu.enqueue_dma source(%dma_start3A_642 : memref<128x128xf32, #tpu.memory_space<vmem>>) target(%dma_start3A_638 : memref<128x128xf32, #tpu.memory_space<hbm>>) target_semaphore(%dma_start3A_636 : memref<!tpu.dma_semaphore, #tpu.memory_space<semaphore_mem>>)
      %dma_wait3A_643 = arith.constant 4 : i32
      %dma_wait3A_644 = arith.constant 4 : i32
      %dma_wait3A_645 = arith.constant 0 : i32
      %dma_wait3A_646 = arith.constant 0 : i32
      %dma_wait3A_647 = tpu.memref_slice %arg6[%dma_wait3A_643, %dma_wait3A_645, %dma_wait3A_646] : memref<5x128x128xf32, #tpu.memory_space<vmem>> -> memref<1x128x128xf32, #tpu.memory_space<vmem>>
      %dma_wait3A_648 = tpu.memref_squeeze %dma_wait3A_647 : memref<1x128x128xf32, #tpu.memory_space<vmem>> -> memref<128x128xf32, #tpu.memory_space<vmem>>
      %dma_wait3A_649 = arith.constant 0 : i32
      %dma_wait3A_650 = tpu.memref_slice %arg4[%mul3A_2, %dma_wait3A_649] : memref<204800x128xf32, #tpu.memory_space<hbm>> -> memref<128x128xf32, #tpu.memory_space<hbm>>
      %dma_wait3A_651 = tpu.memref_slice %arg8[%dma_wait3A_644] : memref<5x!tpu.dma_semaphore, #tpu.memory_space<semaphore_mem>> -> memref<1x!tpu.dma_semaphore, #tpu.memory_space<semaphore_mem>>
      %dma_wait3A_652 = tpu.memref_squeeze %dma_wait3A_651 : memref<1x!tpu.dma_semaphore, #tpu.memory_space<semaphore_mem>> -> memref<!tpu.dma_semaphore, #tpu.memory_space<semaphore_mem>>
      %dma_wait3A_653 = arith.constant 0 : i32
      %dma_wait3A_654 = tpu.memref_slice %arg4[%mul3A_2, %dma_wait3A_653] : memref<204800x128xf32, #tpu.memory_space<hbm>> -> memref<128x128xf32, #tpu.memory_space<hbm>>
      %dma_wait3A_655 = arith.constant 0 : i32
      %dma_wait3A_656 = arith.constant 0 : i32
      %dma_wait3A_657 = tpu.memref_slice %arg6[%dma_wait3A_643, %dma_wait3A_655, %dma_wait3A_656] : memref<5x128x128xf32, #tpu.memory_space<vmem>> -> memref<1x128x128xf32, #tpu.memory_space<vmem>>
      %dma_wait3A_658 = tpu.memref_squeeze %dma_wait3A_657 : memref<1x128x128xf32, #tpu.memory_space<vmem>> -> memref<128x128xf32, #tpu.memory_space<vmem>>
      tpu.wait_dma2 semaphore(%dma_wait3A_652 : memref<!tpu.dma_semaphore, #tpu.memory_space<semaphore_mem>>) src(%dma_wait3A_658 : memref<128x128xf32, #tpu.memory_space<vmem>>) dst(%dma_wait3A_654 : memref<128x128xf32, #tpu.memory_space<hbm>>)
      %add3A_659 = arith.constant 5 : i32
      %add3A_660 = arith.addi %add3A_610, %add3A_659 : i32
      %sub3A = arith.constant 1 : i32
      %sub3A_661 = arith.subi %add3A_660, %sub3A : i32
      %mul3A_662 = arith.constant 128 : i32
      %mul3A_663 = arith.muli %sub3A_661, %mul3A_662 : i32
      %dma_start3A_664 = arith.constant 4 : i32
      %dma_start3A_665 = arith.constant 4 : i32
      %dma_start3A_666 = arith.constant 0 : i32
      %dma_start3A_667 = arith.constant 0 : i32
      %dma_start3A_668 = tpu.memref_slice %arg6[%dma_start3A_664, %dma_start3A_666, %dma_start3A_667] : memref<5x128x128xf32, #tpu.memory_space<vmem>> -> memref<1x128x128xf32, #tpu.memory_space<vmem>>
      %dma_start3A_669 = tpu.memref_squeeze %dma_start3A_668 : memref<1x128x128xf32, #tpu.memory_space<vmem>> -> memref<128x128xf32, #tpu.memory_space<vmem>>
      %dma_start3A_670 = tpu.memref_slice %arg5[%mul3A_663] : memref<6400xi32, #tpu.memory_space<vmem>> -> memref<128xi32, #tpu.memory_space<vmem>>
      %dma_start3A_671 = arith.constant 0 : i32
      %dma_start3A_672 = arith.constant 0 : i32
      %dma_start3A_673 = tpu.memref_slice %arg2[%dma_start3A_671, %dma_start3A_672] : memref<100000x128xf32, #tpu.memory_space<hbm>> -> memref<100000x128xf32, #tpu.memory_space<hbm>>
      %dma_start3A_674 = tpu.memref_slice %arg7[%dma_start3A_665] : memref<5x!tpu.dma_semaphore, #tpu.memory_space<semaphore_mem>> -> memref<1x!tpu.dma_semaphore, #tpu.memory_space<semaphore_mem>>
      %dma_start3A_675 = tpu.memref_squeeze %dma_start3A_674 : memref<1x!tpu.dma_semaphore, #tpu.memory_space<semaphore_mem>> -> memref<!tpu.dma_semaphore, #tpu.memory_space<semaphore_mem>>
      tpu.enqueue_indirect_dma source(%dma_start3A_673 : memref<100000x128xf32, #tpu.memory_space<hbm>>) target(%dma_start3A_669 : memref<128x128xf32, #tpu.memory_space<vmem>>) offsets(%dma_start3A_670 : memref<128xi32, #tpu.memory_space<vmem>>) semaphore(%dma_start3A_675 : memref<!tpu.dma_semaphore, #tpu.memory_space<semaphore_mem>>)
      %add3A_676 = arith.constant 1 : i32
      %add3A_677 = arith.addi %mul3A_608, %add3A_676 : i32
      %dma_wait3A_678 = arith.constant 1 : i32
      %dma_wait3A_679 = arith.constant 1 : i32
      %dma_wait3A_680 = arith.constant 0 : i32
      %dma_wait3A_681 = arith.constant 0 : i32
      %dma_wait3A_682 = tpu.memref_slice %arg6[%dma_wait3A_678, %dma_wait3A_680, %dma_wait3A_681] : memref<5x128x128xf32, #tpu.memory_space<vmem>> -> memref<1x128x128xf32, #tpu.memory_space<vmem>>
      %dma_wait3A_683 = tpu.memref_squeeze %dma_wait3A_682 : memref<1x128x128xf32, #tpu.memory_space<vmem>> -> memref<128x128xf32, #tpu.memory_space<vmem>>
      %dma_wait3A_684 = arith.constant 0 : i32
      %dma_wait3A_685 = tpu.memref_slice %arg5[%dma_wait3A_684] : memref<6400xi32, #tpu.memory_space<vmem>> -> memref<128xi32, #tpu.memory_space<vmem>>
      %dma_wait3A_686 = arith.constant 0 : i32
      %dma_wait3A_687 = arith.constant 0 : i32
      %dma_wait3A_688 = tpu.memref_slice %arg2[%dma_wait3A_686, %dma_wait3A_687] : memref<100000x128xf32, #tpu.memory_space<hbm>> -> memref<100000x128xf32, #tpu.memory_space<hbm>>
      %dma_wait3A_689 = tpu.memref_slice %arg7[%dma_wait3A_679] : memref<5x!tpu.dma_semaphore, #tpu.memory_space<semaphore_mem>> -> memref<1x!tpu.dma_semaphore, #tpu.memory_space<semaphore_mem>>
      %dma_wait3A_690 = tpu.memref_squeeze %dma_wait3A_689 : memref<1x!tpu.dma_semaphore, #tpu.memory_space<semaphore_mem>> -> memref<!tpu.dma_semaphore, #tpu.memory_space<semaphore_mem>>
      tpu.wait_indirect_dma semaphore(%dma_wait3A_690 : memref<!tpu.dma_semaphore, #tpu.memory_space<semaphore_mem>>) src(%dma_wait3A_688 : memref<100000x128xf32, #tpu.memory_space<hbm>>) dst(%dma_wait3A_683 : memref<128x128xf32, #tpu.memory_space<vmem>>)
      %mul3A_691 = arith.constant 128 : i32
      %mul3A_692 = arith.muli %add3A_677, %mul3A_691 : i32
      %add3A_693 = arith.addi %mul3A_2, %mul3A_692 : i32
      %dma_start3A_694 = arith.constant 1 : i32
      %dma_start3A_695 = arith.constant 1 : i32
      %dma_start3A_696 = arith.constant 0 : i32
      %dma_start3A_697 = arith.constant 0 : i32
      %dma_start3A_698 = tpu.memref_slice %arg6[%dma_start3A_694, %dma_start3A_696, %dma_start3A_697] : memref<5x128x128xf32, #tpu.memory_space<vmem>> -> memref<1x128x128xf32, #tpu.memory_space<vmem>>
      %dma_start3A_699 = tpu.memref_squeeze %dma_start3A_698 : memref<1x128x128xf32, #tpu.memory_space<vmem>> -> memref<128x128xf32, #tpu.memory_space<vmem>>
      %dma_start3A_700 = arith.constant 0 : i32
      %dma_start3A_701 = tpu.memref_slice %arg4[%add3A_693, %dma_start3A_700] : memref<204800x128xf32, #tpu.memory_space<hbm>> -> memref<128x128xf32, #tpu.memory_space<hbm>>
      %dma_start3A_702 = tpu.memref_slice %arg8[%dma_start3A_695] : memref<5x!tpu.dma_semaphore, #tpu.memory_space<semaphore_mem>> -> memref<1x!tpu.dma_semaphore, #tpu.memory_space<semaphore_mem>>
      %dma_start3A_703 = tpu.memref_squeeze %dma_start3A_702 : memref<1x!tpu.dma_semaphore, #tpu.memory_space<semaphore_mem>> -> memref<!tpu.dma_semaphore, #tpu.memory_space<semaphore_mem>>
      %dma_start3A_704 = arith.constant 0 : i32
      %dma_start3A_705 = tpu.memref_slice %arg4[%add3A_693, %dma_start3A_704] : memref<204800x128xf32, #tpu.memory_space<hbm>> -> memref<128x128xf32, #tpu.memory_space<hbm>>
      %dma_start3A_706 = arith.constant 0 : i32
      %dma_start3A_707 = arith.constant 0 : i32
      %dma_start3A_708 = tpu.memref_slice %arg6[%dma_start3A_694, %dma_start3A_706, %dma_start3A_707] : memref<5x128x128xf32, #tpu.memory_space<vmem>> -> memref<1x128x128xf32, #tpu.memory_space<vmem>>
      %dma_start3A_709 = tpu.memref_squeeze %dma_start3A_708 : memref<1x128x128xf32, #tpu.memory_space<vmem>> -> memref<128x128xf32, #tpu.memory_space<vmem>>
      tpu.enqueue_dma source(%dma_start3A_709 : memref<128x128xf32, #tpu.memory_space<vmem>>) target(%dma_start3A_705 : memref<128x128xf32, #tpu.memory_space<hbm>>) target_semaphore(%dma_start3A_703 : memref<!tpu.dma_semaphore, #tpu.memory_space<semaphore_mem>>)
      %dma_wait3A_710 = arith.constant 0 : i32
      %dma_wait3A_711 = arith.constant 0 : i32
      %dma_wait3A_712 = arith.constant 0 : i32
      %dma_wait3A_713 = arith.constant 0 : i32
      %dma_wait3A_714 = tpu.memref_slice %arg6[%dma_wait3A_710, %dma_wait3A_712, %dma_wait3A_713] : memref<5x128x128xf32, #tpu.memory_space<vmem>> -> memref<1x128x128xf32, #tpu.memory_space<vmem>>
      %dma_wait3A_715 = tpu.memref_squeeze %dma_wait3A_714 : memref<1x128x128xf32, #tpu.memory_space<vmem>> -> memref<128x128xf32, #tpu.memory_space<vmem>>
      %dma_wait3A_716 = arith.constant 0 : i32
      %dma_wait3A_717 = tpu.memref_slice %arg4[%mul3A_2, %dma_wait3A_716] : memref<204800x128xf32, #tpu.memory_space<hbm>> -> memref<128x128xf32, #tpu.memory_space<hbm>>
      %dma_wait3A_718 = tpu.memref_slice %arg8[%dma_wait3A_711] : memref<5x!tpu.dma_semaphore, #tpu.memory_space<semaphore_mem>> -> memref<1x!tpu.dma_semaphore, #tpu.memory_space<semaphore_mem>>
      %dma_wait3A_719 = tpu.memref_squeeze %dma_wait3A_718 : memref<1x!tpu.dma_semaphore, #tpu.memory_space<semaphore_mem>> -> memref<!tpu.dma_semaphore, #tpu.memory_space<semaphore_mem>>
      %dma_wait3A_720 = arith.constant 0 : i32
      %dma_wait3A_721 = tpu.memref_slice %arg4[%mul3A_2, %dma_wait3A_720] : memref<204800x128xf32, #tpu.memory_space<hbm>> -> memref<128x128xf32, #tpu.memory_space<hbm>>
      %dma_wait3A_722 = arith.constant 0 : i32
      %dma_wait3A_723 = arith.constant 0 : i32
      %dma_wait3A_724 = tpu.memref_slice %arg6[%dma_wait3A_710, %dma_wait3A_722, %dma_wait3A_723] : memref<5x128x128xf32, #tpu.memory_space<vmem>> -> memref<1x128x128xf32, #tpu.memory_space<vmem>>
      %dma_wait3A_725 = tpu.memref_squeeze %dma_wait3A_724 : memref<1x128x128xf32, #tpu.memory_space<vmem>> -> memref<128x128xf32, #tpu.memory_space<vmem>>
      tpu.wait_dma2 semaphore(%dma_wait3A_719 : memref<!tpu.dma_semaphore, #tpu.memory_space<semaphore_mem>>) src(%dma_wait3A_725 : memref<128x128xf32, #tpu.memory_space<vmem>>) dst(%dma_wait3A_721 : memref<128x128xf32, #tpu.memory_space<hbm>>)
      %add3A_726 = arith.constant 5 : i32
      %add3A_727 = arith.addi %add3A_677, %add3A_726 : i32
      %sub3A_728 = arith.constant 1 : i32
      %sub3A_729 = arith.subi %add3A_727, %sub3A_728 : i32
      %mul3A_730 = arith.constant 128 : i32
      %mul3A_731 = arith.muli %sub3A_729, %mul3A_730 : i32
      %dma_start3A_732 = arith.constant 0 : i32
      %dma_start3A_733 = arith.constant 0 : i32
      %dma_start3A_734 = arith.constant 0 : i32
      %dma_start3A_735 = arith.constant 0 : i32
      %dma_start3A_736 = tpu.memref_slice %arg6[%dma_start3A_732, %dma_start3A_734, %dma_start3A_735] : memref<5x128x128xf32, #tpu.memory_space<vmem>> -> memref<1x128x128xf32, #tpu.memory_space<vmem>>
      %dma_start3A_737 = tpu.memref_squeeze %dma_start3A_736 : memref<1x128x128xf32, #tpu.memory_space<vmem>> -> memref<128x128xf32, #tpu.memory_space<vmem>>
      %dma_start3A_738 = tpu.memref_slice %arg5[%mul3A_731] : memref<6400xi32, #tpu.memory_space<vmem>> -> memref<128xi32, #tpu.memory_space<vmem>>
      %dma_start3A_739 = arith.constant 0 : i32
      %dma_start3A_740 = arith.constant 0 : i32
      %dma_start3A_741 = tpu.memref_slice %arg2[%dma_start3A_739, %dma_start3A_740] : memref<100000x128xf32, #tpu.memory_space<hbm>> -> memref<100000x128xf32, #tpu.memory_space<hbm>>
      %dma_start3A_742 = tpu.memref_slice %arg7[%dma_start3A_733] : memref<5x!tpu.dma_semaphore, #tpu.memory_space<semaphore_mem>> -> memref<1x!tpu.dma_semaphore, #tpu.memory_space<semaphore_mem>>
      %dma_start3A_743 = tpu.memref_squeeze %dma_start3A_742 : memref<1x!tpu.dma_semaphore, #tpu.memory_space<semaphore_mem>> -> memref<!tpu.dma_semaphore, #tpu.memory_space<semaphore_mem>>
      tpu.enqueue_indirect_dma source(%dma_start3A_741 : memref<100000x128xf32, #tpu.memory_space<hbm>>) target(%dma_start3A_737 : memref<128x128xf32, #tpu.memory_space<vmem>>) offsets(%dma_start3A_738 : memref<128xi32, #tpu.memory_space<vmem>>) semaphore(%dma_start3A_743 : memref<!tpu.dma_semaphore, #tpu.memory_space<semaphore_mem>>)
      %add3A_744 = arith.constant 2 : i32
      %add3A_745 = arith.addi %mul3A_608, %add3A_744 : i32
      %dma_wait3A_746 = arith.constant 2 : i32
      %dma_wait3A_747 = arith.constant 2 : i32
      %dma_wait3A_748 = arith.constant 0 : i32
      %dma_wait3A_749 = arith.constant 0 : i32
      %dma_wait3A_750 = tpu.memref_slice %arg6[%dma_wait3A_746, %dma_wait3A_748, %dma_wait3A_749] : memref<5x128x128xf32, #tpu.memory_space<vmem>> -> memref<1x128x128xf32, #tpu.memory_space<vmem>>
      %dma_wait3A_751 = tpu.memref_squeeze %dma_wait3A_750 : memref<1x128x128xf32, #tpu.memory_space<vmem>> -> memref<128x128xf32, #tpu.memory_space<vmem>>
      %dma_wait3A_752 = arith.constant 0 : i32
      %dma_wait3A_753 = tpu.memref_slice %arg5[%dma_wait3A_752] : memref<6400xi32, #tpu.memory_space<vmem>> -> memref<128xi32, #tpu.memory_space<vmem>>
      %dma_wait3A_754 = arith.constant 0 : i32
      %dma_wait3A_755 = arith.constant 0 : i32
      %dma_wait3A_756 = tpu.memref_slice %arg2[%dma_wait3A_754, %dma_wait3A_755] : memref<100000x128xf32, #tpu.memory_space<hbm>> -> memref<100000x128xf32, #tpu.memory_space<hbm>>
      %dma_wait3A_757 = tpu.memref_slice %arg7[%dma_wait3A_747] : memref<5x!tpu.dma_semaphore, #tpu.memory_space<semaphore_mem>> -> memref<1x!tpu.dma_semaphore, #tpu.memory_space<semaphore_mem>>
      %dma_wait3A_758 = tpu.memref_squeeze %dma_wait3A_757 : memref<1x!tpu.dma_semaphore, #tpu.memory_space<semaphore_mem>> -> memref<!tpu.dma_semaphore, #tpu.memory_space<semaphore_mem>>
      tpu.wait_indirect_dma semaphore(%dma_wait3A_758 : memref<!tpu.dma_semaphore, #tpu.memory_space<semaphore_mem>>) src(%dma_wait3A_756 : memref<100000x128xf32, #tpu.memory_space<hbm>>) dst(%dma_wait3A_751 : memref<128x128xf32, #tpu.memory_space<vmem>>)
      %mul3A_759 = arith.constant 128 : i32
      %mul3A_760 = arith.muli %add3A_745, %mul3A_759 : i32
      %add3A_761 = arith.addi %mul3A_2, %mul3A_760 : i32
      %dma_start3A_762 = arith.constant 2 : i32
      %dma_start3A_763 = arith.constant 2 : i32
      %dma_start3A_764 = arith.constant 0 : i32
      %dma_start3A_765 = arith.constant 0 : i32
      %dma_start3A_766 = tpu.memref_slice %arg6[%dma_start3A_762, %dma_start3A_764, %dma_start3A_765] : memref<5x128x128xf32, #tpu.memory_space<vmem>> -> memref<1x128x128xf32, #tpu.memory_space<vmem>>
      %dma_start3A_767 = tpu.memref_squeeze %dma_start3A_766 : memref<1x128x128xf32, #tpu.memory_space<vmem>> -> memref<128x128xf32, #tpu.memory_space<vmem>>
      %dma_start3A_768 = arith.constant 0 : i32
      %dma_start3A_769 = tpu.memref_slice %arg4[%add3A_761, %dma_start3A_768] : memref<204800x128xf32, #tpu.memory_space<hbm>> -> memref<128x128xf32, #tpu.memory_space<hbm>>
      %dma_start3A_770 = tpu.memref_slice %arg8[%dma_start3A_763] : memref<5x!tpu.dma_semaphore, #tpu.memory_space<semaphore_mem>> -> memref<1x!tpu.dma_semaphore, #tpu.memory_space<semaphore_mem>>
      %dma_start3A_771 = tpu.memref_squeeze %dma_start3A_770 : memref<1x!tpu.dma_semaphore, #tpu.memory_space<semaphore_mem>> -> memref<!tpu.dma_semaphore, #tpu.memory_space<semaphore_mem>>
      %dma_start3A_772 = arith.constant 0 : i32
      %dma_start3A_773 = tpu.memref_slice %arg4[%add3A_761, %dma_start3A_772] : memref<204800x128xf32, #tpu.memory_space<hbm>> -> memref<128x128xf32, #tpu.memory_space<hbm>>
      %dma_start3A_774 = arith.constant 0 : i32
      %dma_start3A_775 = arith.constant 0 : i32
      %dma_start3A_776 = tpu.memref_slice %arg6[%dma_start3A_762, %dma_start3A_774, %dma_start3A_775] : memref<5x128x128xf32, #tpu.memory_space<vmem>> -> memref<1x128x128xf32, #tpu.memory_space<vmem>>
      %dma_start3A_777 = tpu.memref_squeeze %dma_start3A_776 : memref<1x128x128xf32, #tpu.memory_space<vmem>> -> memref<128x128xf32, #tpu.memory_space<vmem>>
      tpu.enqueue_dma source(%dma_start3A_777 : memref<128x128xf32, #tpu.memory_space<vmem>>) target(%dma_start3A_773 : memref<128x128xf32, #tpu.memory_space<hbm>>) target_semaphore(%dma_start3A_771 : memref<!tpu.dma_semaphore, #tpu.memory_space<semaphore_mem>>)
      %dma_wait3A_778 = arith.constant 1 : i32
      %dma_wait3A_779 = arith.constant 1 : i32
      %dma_wait3A_780 = arith.constant 0 : i32
      %dma_wait3A_781 = arith.constant 0 : i32
      %dma_wait3A_782 = tpu.memref_slice %arg6[%dma_wait3A_778, %dma_wait3A_780, %dma_wait3A_781] : memref<5x128x128xf32, #tpu.memory_space<vmem>> -> memref<1x128x128xf32, #tpu.memory_space<vmem>>
      %dma_wait3A_783 = tpu.memref_squeeze %dma_wait3A_782 : memref<1x128x128xf32, #tpu.memory_space<vmem>> -> memref<128x128xf32, #tpu.memory_space<vmem>>
      %dma_wait3A_784 = arith.constant 0 : i32
      %dma_wait3A_785 = tpu.memref_slice %arg4[%mul3A_2, %dma_wait3A_784] : memref<204800x128xf32, #tpu.memory_space<hbm>> -> memref<128x128xf32, #tpu.memory_space<hbm>>
      %dma_wait3A_786 = tpu.memref_slice %arg8[%dma_wait3A_779] : memref<5x!tpu.dma_semaphore, #tpu.memory_space<semaphore_mem>> -> memref<1x!tpu.dma_semaphore, #tpu.memory_space<semaphore_mem>>
      %dma_wait3A_787 = tpu.memref_squeeze %dma_wait3A_786 : memref<1x!tpu.dma_semaphore, #tpu.memory_space<semaphore_mem>> -> memref<!tpu.dma_semaphore, #tpu.memory_space<semaphore_mem>>
      %dma_wait3A_788 = arith.constant 0 : i32
      %dma_wait3A_789 = tpu.memref_slice %arg4[%mul3A_2, %dma_wait3A_788] : memref<204800x128xf32, #tpu.memory_space<hbm>> -> memref<128x128xf32, #tpu.memory_space<hbm>>
      %dma_wait3A_790 = arith.constant 0 : i32
      %dma_wait3A_791 = arith.constant 0 : i32
      %dma_wait3A_792 = tpu.memref_slice %arg6[%dma_wait3A_778, %dma_wait3A_790, %dma_wait3A_791] : memref<5x128x128xf32, #tpu.memory_space<vmem>> -> memref<1x128x128xf32, #tpu.memory_space<vmem>>
      %dma_wait3A_793 = tpu.memref_squeeze %dma_wait3A_792 : memref<1x128x128xf32, #tpu.memory_space<vmem>> -> memref<128x128xf32, #tpu.memory_space<vmem>>
      tpu.wait_dma2 semaphore(%dma_wait3A_787 : memref<!tpu.dma_semaphore, #tpu.memory_space<semaphore_mem>>) src(%dma_wait3A_793 : memref<128x128xf32, #tpu.memory_space<vmem>>) dst(%dma_wait3A_789 : memref<128x128xf32, #tpu.memory_space<hbm>>)
      %add3A_794 = arith.constant 5 : i32
      %add3A_795 = arith.addi %add3A_745, %add3A_794 : i32
      %sub3A_796 = arith.constant 1 : i32
      %sub3A_797 = arith.subi %add3A_795, %sub3A_796 : i32
      %mul3A_798 = arith.constant 128 : i32
      %mul3A_799 = arith.muli %sub3A_797, %mul3A_798 : i32
      %dma_start3A_800 = arith.constant 1 : i32
      %dma_start3A_801 = arith.constant 1 : i32
      %dma_start3A_802 = arith.constant 0 : i32
      %dma_start3A_803 = arith.constant 0 : i32
      %dma_start3A_804 = tpu.memref_slice %arg6[%dma_start3A_800, %dma_start3A_802, %dma_start3A_803] : memref<5x128x128xf32, #tpu.memory_space<vmem>> -> memref<1x128x128xf32, #tpu.memory_space<vmem>>
      %dma_start3A_805 = tpu.memref_squeeze %dma_start3A_804 : memref<1x128x128xf32, #tpu.memory_space<vmem>> -> memref<128x128xf32, #tpu.memory_space<vmem>>
      %dma_start3A_806 = tpu.memref_slice %arg5[%mul3A_799] : memref<6400xi32, #tpu.memory_space<vmem>> -> memref<128xi32, #tpu.memory_space<vmem>>
      %dma_start3A_807 = arith.constant 0 : i32
      %dma_start3A_808 = arith.constant 0 : i32
      %dma_start3A_809 = tpu.memref_slice %arg2[%dma_start3A_807, %dma_start3A_808] : memref<100000x128xf32, #tpu.memory_space<hbm>> -> memref<100000x128xf32, #tpu.memory_space<hbm>>
      %dma_start3A_810 = tpu.memref_slice %arg7[%dma_start3A_801] : memref<5x!tpu.dma_semaphore, #tpu.memory_space<semaphore_mem>> -> memref<1x!tpu.dma_semaphore, #tpu.memory_space<semaphore_mem>>
      %dma_start3A_811 = tpu.memref_squeeze %dma_start3A_810 : memref<1x!tpu.dma_semaphore, #tpu.memory_space<semaphore_mem>> -> memref<!tpu.dma_semaphore, #tpu.memory_space<semaphore_mem>>
      tpu.enqueue_indirect_dma source(%dma_start3A_809 : memref<100000x128xf32, #tpu.memory_space<hbm>>) target(%dma_start3A_805 : memref<128x128xf32, #tpu.memory_space<vmem>>) offsets(%dma_start3A_806 : memref<128xi32, #tpu.memory_space<vmem>>) semaphore(%dma_start3A_811 : memref<!tpu.dma_semaphore, #tpu.memory_space<semaphore_mem>>)
      %add3A_812 = arith.constant 3 : i32
      %add3A_813 = arith.addi %mul3A_608, %add3A_812 : i32
      %dma_wait3A_814 = arith.constant 3 : i32
      %dma_wait3A_815 = arith.constant 3 : i32
      %dma_wait3A_816 = arith.constant 0 : i32
      %dma_wait3A_817 = arith.constant 0 : i32
      %dma_wait3A_818 = tpu.memref_slice %arg6[%dma_wait3A_814, %dma_wait3A_816, %dma_wait3A_817] : memref<5x128x128xf32, #tpu.memory_space<vmem>> -> memref<1x128x128xf32, #tpu.memory_space<vmem>>
      %dma_wait3A_819 = tpu.memref_squeeze %dma_wait3A_818 : memref<1x128x128xf32, #tpu.memory_space<vmem>> -> memref<128x128xf32, #tpu.memory_space<vmem>>
      %dma_wait3A_820 = arith.constant 0 : i32
      %dma_wait3A_821 = tpu.memref_slice %arg5[%dma_wait3A_820] : memref<6400xi32, #tpu.memory_space<vmem>> -> memref<128xi32, #tpu.memory_space<vmem>>
      %dma_wait3A_822 = arith.constant 0 : i32
      %dma_wait3A_823 = arith.constant 0 : i32
      %dma_wait3A_824 = tpu.memref_slice %arg2[%dma_wait3A_822, %dma_wait3A_823] : memref<100000x128xf32, #tpu.memory_space<hbm>> -> memref<100000x128xf32, #tpu.memory_space<hbm>>
      %dma_wait3A_825 = tpu.memref_slice %arg7[%dma_wait3A_815] : memref<5x!tpu.dma_semaphore, #tpu.memory_space<semaphore_mem>> -> memref<1x!tpu.dma_semaphore, #tpu.memory_space<semaphore_mem>>
      %dma_wait3A_826 = tpu.memref_squeeze %dma_wait3A_825 : memref<1x!tpu.dma_semaphore, #tpu.memory_space<semaphore_mem>> -> memref<!tpu.dma_semaphore, #tpu.memory_space<semaphore_mem>>
      tpu.wait_indirect_dma semaphore(%dma_wait3A_826 : memref<!tpu.dma_semaphore, #tpu.memory_space<semaphore_mem>>) src(%dma_wait3A_824 : memref<100000x128xf32, #tpu.memory_space<hbm>>) dst(%dma_wait3A_819 : memref<128x128xf32, #tpu.memory_space<vmem>>)
      %mul3A_827 = arith.constant 128 : i32
      %mul3A_828 = arith.muli %add3A_813, %mul3A_827 : i32
      %add3A_829 = arith.addi %mul3A_2, %mul3A_828 : i32
      %dma_start3A_830 = arith.constant 3 : i32
      %dma_start3A_831 = arith.constant 3 : i32
      %dma_start3A_832 = arith.constant 0 : i32
      %dma_start3A_833 = arith.constant 0 : i32
      %dma_start3A_834 = tpu.memref_slice %arg6[%dma_start3A_830, %dma_start3A_832, %dma_start3A_833] : memref<5x128x128xf32, #tpu.memory_space<vmem>> -> memref<1x128x128xf32, #tpu.memory_space<vmem>>
      %dma_start3A_835 = tpu.memref_squeeze %dma_start3A_834 : memref<1x128x128xf32, #tpu.memory_space<vmem>> -> memref<128x128xf32, #tpu.memory_space<vmem>>
      %dma_start3A_836 = arith.constant 0 : i32
      %dma_start3A_837 = tpu.memref_slice %arg4[%add3A_829, %dma_start3A_836] : memref<204800x128xf32, #tpu.memory_space<hbm>> -> memref<128x128xf32, #tpu.memory_space<hbm>>
      %dma_start3A_838 = tpu.memref_slice %arg8[%dma_start3A_831] : memref<5x!tpu.dma_semaphore, #tpu.memory_space<semaphore_mem>> -> memref<1x!tpu.dma_semaphore, #tpu.memory_space<semaphore_mem>>
      %dma_start3A_839 = tpu.memref_squeeze %dma_start3A_838 : memref<1x!tpu.dma_semaphore, #tpu.memory_space<semaphore_mem>> -> memref<!tpu.dma_semaphore, #tpu.memory_space<semaphore_mem>>
      %dma_start3A_840 = arith.constant 0 : i32
      %dma_start3A_841 = tpu.memref_slice %arg4[%add3A_829, %dma_start3A_840] : memref<204800x128xf32, #tpu.memory_space<hbm>> -> memref<128x128xf32, #tpu.memory_space<hbm>>
      %dma_start3A_842 = arith.constant 0 : i32
      %dma_start3A_843 = arith.constant 0 : i32
      %dma_start3A_844 = tpu.memref_slice %arg6[%dma_start3A_830, %dma_start3A_842, %dma_start3A_843] : memref<5x128x128xf32, #tpu.memory_space<vmem>> -> memref<1x128x128xf32, #tpu.memory_space<vmem>>
      %dma_start3A_845 = tpu.memref_squeeze %dma_start3A_844 : memref<1x128x128xf32, #tpu.memory_space<vmem>> -> memref<128x128xf32, #tpu.memory_space<vmem>>
      tpu.enqueue_dma source(%dma_start3A_845 : memref<128x128xf32, #tpu.memory_space<vmem>>) target(%dma_start3A_841 : memref<128x128xf32, #tpu.memory_space<hbm>>) target_semaphore(%dma_start3A_839 : memref<!tpu.dma_semaphore, #tpu.memory_space<semaphore_mem>>)
      %dma_wait3A_846 = arith.constant 2 : i32
      %dma_wait3A_847 = arith.constant 2 : i32
      %dma_wait3A_848 = arith.constant 0 : i32
      %dma_wait3A_849 = arith.constant 0 : i32
      %dma_wait3A_850 = tpu.memref_slice %arg6[%dma_wait3A_846, %dma_wait3A_848, %dma_wait3A_849] : memref<5x128x128xf32, #tpu.memory_space<vmem>> -> memref<1x128x128xf32, #tpu.memory_space<vmem>>
      %dma_wait3A_851 = tpu.memref_squeeze %dma_wait3A_850 : memref<1x128x128xf32, #tpu.memory_space<vmem>> -> memref<128x128xf32, #tpu.memory_space<vmem>>
      %dma_wait3A_852 = arith.constant 0 : i32
      %dma_wait3A_853 = tpu.memref_slice %arg4[%mul3A_2, %dma_wait3A_852] : memref<204800x128xf32, #tpu.memory_space<hbm>> -> memref<128x128xf32, #tpu.memory_space<hbm>>
      %dma_wait3A_854 = tpu.memref_slice %arg8[%dma_wait3A_847] : memref<5x!tpu.dma_semaphore, #tpu.memory_space<semaphore_mem>> -> memref<1x!tpu.dma_semaphore, #tpu.memory_space<semaphore_mem>>
      %dma_wait3A_855 = tpu.memref_squeeze %dma_wait3A_854 : memref<1x!tpu.dma_semaphore, #tpu.memory_space<semaphore_mem>> -> memref<!tpu.dma_semaphore, #tpu.memory_space<semaphore_mem>>
      %dma_wait3A_856 = arith.constant 0 : i32
      %dma_wait3A_857 = tpu.memref_slice %arg4[%mul3A_2, %dma_wait3A_856] : memref<204800x128xf32, #tpu.memory_space<hbm>> -> memref<128x128xf32, #tpu.memory_space<hbm>>
      %dma_wait3A_858 = arith.constant 0 : i32
      %dma_wait3A_859 = arith.constant 0 : i32
      %dma_wait3A_860 = tpu.memref_slice %arg6[%dma_wait3A_846, %dma_wait3A_858, %dma_wait3A_859] : memref<5x128x128xf32, #tpu.memory_space<vmem>> -> memref<1x128x128xf32, #tpu.memory_space<vmem>>
      %dma_wait3A_861 = tpu.memref_squeeze %dma_wait3A_860 : memref<1x128x128xf32, #tpu.memory_space<vmem>> -> memref<128x128xf32, #tpu.memory_space<vmem>>
      tpu.wait_dma2 semaphore(%dma_wait3A_855 : memref<!tpu.dma_semaphore, #tpu.memory_space<semaphore_mem>>) src(%dma_wait3A_861 : memref<128x128xf32, #tpu.memory_space<vmem>>) dst(%dma_wait3A_857 : memref<128x128xf32, #tpu.memory_space<hbm>>)
      %add3A_862 = arith.constant 5 : i32
      %add3A_863 = arith.addi %add3A_813, %add3A_862 : i32
      %sub3A_864 = arith.constant 1 : i32
      %sub3A_865 = arith.subi %add3A_863, %sub3A_864 : i32
      %mul3A_866 = arith.constant 128 : i32
      %mul3A_867 = arith.muli %sub3A_865, %mul3A_866 : i32
      %dma_start3A_868 = arith.constant 2 : i32
      %dma_start3A_869 = arith.constant 2 : i32
      %dma_start3A_870 = arith.constant 0 : i32
      %dma_start3A_871 = arith.constant 0 : i32
      %dma_start3A_872 = tpu.memref_slice %arg6[%dma_start3A_868, %dma_start3A_870, %dma_start3A_871] : memref<5x128x128xf32, #tpu.memory_space<vmem>> -> memref<1x128x128xf32, #tpu.memory_space<vmem>>
      %dma_start3A_873 = tpu.memref_squeeze %dma_start3A_872 : memref<1x128x128xf32, #tpu.memory_space<vmem>> -> memref<128x128xf32, #tpu.memory_space<vmem>>
      %dma_start3A_874 = tpu.memref_slice %arg5[%mul3A_867] : memref<6400xi32, #tpu.memory_space<vmem>> -> memref<128xi32, #tpu.memory_space<vmem>>
      %dma_start3A_875 = arith.constant 0 : i32
      %dma_start3A_876 = arith.constant 0 : i32
      %dma_start3A_877 = tpu.memref_slice %arg2[%dma_start3A_875, %dma_start3A_876] : memref<100000x128xf32, #tpu.memory_space<hbm>> -> memref<100000x128xf32, #tpu.memory_space<hbm>>
      %dma_start3A_878 = tpu.memref_slice %arg7[%dma_start3A_869] : memref<5x!tpu.dma_semaphore, #tpu.memory_space<semaphore_mem>> -> memref<1x!tpu.dma_semaphore, #tpu.memory_space<semaphore_mem>>
      %dma_start3A_879 = tpu.memref_squeeze %dma_start3A_878 : memref<1x!tpu.dma_semaphore, #tpu.memory_space<semaphore_mem>> -> memref<!tpu.dma_semaphore, #tpu.memory_space<semaphore_mem>>
      tpu.enqueue_indirect_dma source(%dma_start3A_877 : memref<100000x128xf32, #tpu.memory_space<hbm>>) target(%dma_start3A_873 : memref<128x128xf32, #tpu.memory_space<vmem>>) offsets(%dma_start3A_874 : memref<128xi32, #tpu.memory_space<vmem>>) semaphore(%dma_start3A_879 : memref<!tpu.dma_semaphore, #tpu.memory_space<semaphore_mem>>)
      %add3A_880 = arith.constant 4 : i32
      %add3A_881 = arith.addi %mul3A_608, %add3A_880 : i32
      %dma_wait3A_882 = arith.constant 4 : i32
      %dma_wait3A_883 = arith.constant 4 : i32
      %dma_wait3A_884 = arith.constant 0 : i32
      %dma_wait3A_885 = arith.constant 0 : i32
      %dma_wait3A_886 = tpu.memref_slice %arg6[%dma_wait3A_882, %dma_wait3A_884, %dma_wait3A_885] : memref<5x128x128xf32, #tpu.memory_space<vmem>> -> memref<1x128x128xf32, #tpu.memory_space<vmem>>
      %dma_wait3A_887 = tpu.memref_squeeze %dma_wait3A_886 : memref<1x128x128xf32, #tpu.memory_space<vmem>> -> memref<128x128xf32, #tpu.memory_space<vmem>>
      %dma_wait3A_888 = arith.constant 0 : i32
      %dma_wait3A_889 = tpu.memref_slice %arg5[%dma_wait3A_888] : memref<6400xi32, #tpu.memory_space<vmem>> -> memref<128xi32, #tpu.memory_space<vmem>>
      %dma_wait3A_890 = arith.constant 0 : i32
      %dma_wait3A_891 = arith.constant 0 : i32
      %dma_wait3A_892 = tpu.memref_slice %arg2[%dma_wait3A_890, %dma_wait3A_891] : memref<100000x128xf32, #tpu.memory_space<hbm>> -> memref<100000x128xf32, #tpu.memory_space<hbm>>
      %dma_wait3A_893 = tpu.memref_slice %arg7[%dma_wait3A_883] : memref<5x!tpu.dma_semaphore, #tpu.memory_space<semaphore_mem>> -> memref<1x!tpu.dma_semaphore, #tpu.memory_space<semaphore_mem>>
      %dma_wait3A_894 = tpu.memref_squeeze %dma_wait3A_893 : memref<1x!tpu.dma_semaphore, #tpu.memory_space<semaphore_mem>> -> memref<!tpu.dma_semaphore, #tpu.memory_space<semaphore_mem>>
      tpu.wait_indirect_dma semaphore(%dma_wait3A_894 : memref<!tpu.dma_semaphore, #tpu.memory_space<semaphore_mem>>) src(%dma_wait3A_892 : memref<100000x128xf32, #tpu.memory_space<hbm>>) dst(%dma_wait3A_887 : memref<128x128xf32, #tpu.memory_space<vmem>>)
      %mul3A_895 = arith.constant 128 : i32
      %mul3A_896 = arith.muli %add3A_881, %mul3A_895 : i32
      %add3A_897 = arith.addi %mul3A_2, %mul3A_896 : i32
      %dma_start3A_898 = arith.constant 4 : i32
      %dma_start3A_899 = arith.constant 4 : i32
      %dma_start3A_900 = arith.constant 0 : i32
      %dma_start3A_901 = arith.constant 0 : i32
      %dma_start3A_902 = tpu.memref_slice %arg6[%dma_start3A_898, %dma_start3A_900, %dma_start3A_901] : memref<5x128x128xf32, #tpu.memory_space<vmem>> -> memref<1x128x128xf32, #tpu.memory_space<vmem>>
      %dma_start3A_903 = tpu.memref_squeeze %dma_start3A_902 : memref<1x128x128xf32, #tpu.memory_space<vmem>> -> memref<128x128xf32, #tpu.memory_space<vmem>>
      %dma_start3A_904 = arith.constant 0 : i32
      %dma_start3A_905 = tpu.memref_slice %arg4[%add3A_897, %dma_start3A_904] : memref<204800x128xf32, #tpu.memory_space<hbm>> -> memref<128x128xf32, #tpu.memory_space<hbm>>
      %dma_start3A_906 = tpu.memref_slice %arg8[%dma_start3A_899] : memref<5x!tpu.dma_semaphore, #tpu.memory_space<semaphore_mem>> -> memref<1x!tpu.dma_semaphore, #tpu.memory_space<semaphore_mem>>
      %dma_start3A_907 = tpu.memref_squeeze %dma_start3A_906 : memref<1x!tpu.dma_semaphore, #tpu.memory_space<semaphore_mem>> -> memref<!tpu.dma_semaphore, #tpu.memory_space<semaphore_mem>>
      %dma_start3A_908 = arith.constant 0 : i32
      %dma_start3A_909 = tpu.memref_slice %arg4[%add3A_897, %dma_start3A_908] : memref<204800x128xf32, #tpu.memory_space<hbm>> -> memref<128x128xf32, #tpu.memory_space<hbm>>
      %dma_start3A_910 = arith.constant 0 : i32
      %dma_start3A_911 = arith.constant 0 : i32
      %dma_start3A_912 = tpu.memref_slice %arg6[%dma_start3A_898, %dma_start3A_910, %dma_start3A_911] : memref<5x128x128xf32, #tpu.memory_space<vmem>> -> memref<1x128x128xf32, #tpu.memory_space<vmem>>
      %dma_start3A_913 = tpu.memref_squeeze %dma_start3A_912 : memref<1x128x128xf32, #tpu.memory_space<vmem>> -> memref<128x128xf32, #tpu.memory_space<vmem>>
      tpu.enqueue_dma source(%dma_start3A_913 : memref<128x128xf32, #tpu.memory_space<vmem>>) target(%dma_start3A_909 : memref<128x128xf32, #tpu.memory_space<hbm>>) target_semaphore(%dma_start3A_907 : memref<!tpu.dma_semaphore, #tpu.memory_space<semaphore_mem>>)
      %dma_wait3A_914 = arith.constant 3 : i32
      %dma_wait3A_915 = arith.constant 3 : i32
      %dma_wait3A_916 = arith.constant 0 : i32
      %dma_wait3A_917 = arith.constant 0 : i32
      %dma_wait3A_918 = tpu.memref_slice %arg6[%dma_wait3A_914, %dma_wait3A_916, %dma_wait3A_917] : memref<5x128x128xf32, #tpu.memory_space<vmem>> -> memref<1x128x128xf32, #tpu.memory_space<vmem>>
      %dma_wait3A_919 = tpu.memref_squeeze %dma_wait3A_918 : memref<1x128x128xf32, #tpu.memory_space<vmem>> -> memref<128x128xf32, #tpu.memory_space<vmem>>
      %dma_wait3A_920 = arith.constant 0 : i32
      %dma_wait3A_921 = tpu.memref_slice %arg4[%mul3A_2, %dma_wait3A_920] : memref<204800x128xf32, #tpu.memory_space<hbm>> -> memref<128x128xf32, #tpu.memory_space<hbm>>
      %dma_wait3A_922 = tpu.memref_slice %arg8[%dma_wait3A_915] : memref<5x!tpu.dma_semaphore, #tpu.memory_space<semaphore_mem>> -> memref<1x!tpu.dma_semaphore, #tpu.memory_space<semaphore_mem>>
      %dma_wait3A_923 = tpu.memref_squeeze %dma_wait3A_922 : memref<1x!tpu.dma_semaphore, #tpu.memory_space<semaphore_mem>> -> memref<!tpu.dma_semaphore, #tpu.memory_space<semaphore_mem>>
      %dma_wait3A_924 = arith.constant 0 : i32
      %dma_wait3A_925 = tpu.memref_slice %arg4[%mul3A_2, %dma_wait3A_924] : memref<204800x128xf32, #tpu.memory_space<hbm>> -> memref<128x128xf32, #tpu.memory_space<hbm>>
      %dma_wait3A_926 = arith.constant 0 : i32
      %dma_wait3A_927 = arith.constant 0 : i32
      %dma_wait3A_928 = tpu.memref_slice %arg6[%dma_wait3A_914, %dma_wait3A_926, %dma_wait3A_927] : memref<5x128x128xf32, #tpu.memory_space<vmem>> -> memref<1x128x128xf32, #tpu.memory_space<vmem>>
      %dma_wait3A_929 = tpu.memref_squeeze %dma_wait3A_928 : memref<1x128x128xf32, #tpu.memory_space<vmem>> -> memref<128x128xf32, #tpu.memory_space<vmem>>
      tpu.wait_dma2 semaphore(%dma_wait3A_923 : memref<!tpu.dma_semaphore, #tpu.memory_space<semaphore_mem>>) src(%dma_wait3A_929 : memref<128x128xf32, #tpu.memory_space<vmem>>) dst(%dma_wait3A_925 : memref<128x128xf32, #tpu.memory_space<hbm>>)
      %add3A_930 = arith.constant 5 : i32
      %add3A_931 = arith.addi %add3A_881, %add3A_930 : i32
      %sub3A_932 = arith.constant 1 : i32
      %sub3A_933 = arith.subi %add3A_931, %sub3A_932 : i32
      %mul3A_934 = arith.constant 128 : i32
      %mul3A_935 = arith.muli %sub3A_933, %mul3A_934 : i32
      %dma_start3A_936 = arith.constant 3 : i32
      %dma_start3A_937 = arith.constant 3 : i32
      %dma_start3A_938 = arith.constant 0 : i32
      %dma_start3A_939 = arith.constant 0 : i32
      %dma_start3A_940 = tpu.memref_slice %arg6[%dma_start3A_936, %dma_start3A_938, %dma_start3A_939] : memref<5x128x128xf32, #tpu.memory_space<vmem>> -> memref<1x128x128xf32, #tpu.memory_space<vmem>>
      %dma_start3A_941 = tpu.memref_squeeze %dma_start3A_940 : memref<1x128x128xf32, #tpu.memory_space<vmem>> -> memref<128x128xf32, #tpu.memory_space<vmem>>
      %dma_start3A_942 = tpu.memref_slice %arg5[%mul3A_935] : memref<6400xi32, #tpu.memory_space<vmem>> -> memref<128xi32, #tpu.memory_space<vmem>>
      %dma_start3A_943 = arith.constant 0 : i32
      %dma_start3A_944 = arith.constant 0 : i32
      %dma_start3A_945 = tpu.memref_slice %arg2[%dma_start3A_943, %dma_start3A_944] : memref<100000x128xf32, #tpu.memory_space<hbm>> -> memref<100000x128xf32, #tpu.memory_space<hbm>>
      %dma_start3A_946 = tpu.memref_slice %arg7[%dma_start3A_937] : memref<5x!tpu.dma_semaphore, #tpu.memory_space<semaphore_mem>> -> memref<1x!tpu.dma_semaphore, #tpu.memory_space<semaphore_mem>>
      %dma_start3A_947 = tpu.memref_squeeze %dma_start3A_946 : memref<1x!tpu.dma_semaphore, #tpu.memory_space<semaphore_mem>> -> memref<!tpu.dma_semaphore, #tpu.memory_space<semaphore_mem>>
      tpu.enqueue_indirect_dma source(%dma_start3A_945 : memref<100000x128xf32, #tpu.memory_space<hbm>>) target(%dma_start3A_941 : memref<128x128xf32, #tpu.memory_space<vmem>>) offsets(%dma_start3A_942 : memref<128xi32, #tpu.memory_space<vmem>>) semaphore(%dma_start3A_947 : memref<!tpu.dma_semaphore, #tpu.memory_space<semaphore_mem>>)
    }
    %scan3A_341 = arith.constant 8 : i32
    %dma_wait3A_342 = arith.constant 0 : i32
    %dma_wait3A_343 = arith.constant 0 : i32
    %dma_wait3A_344 = arith.constant 0 : i32
    %dma_wait3A_345 = arith.constant 0 : i32
    %dma_wait3A_346 = tpu.memref_slice %arg6[%dma_wait3A_342, %dma_wait3A_344, %dma_wait3A_345] : memref<5x128x128xf32, #tpu.memory_space<vmem>> -> memref<1x128x128xf32, #tpu.memory_space<vmem>>
    %dma_wait3A_347 = tpu.memref_squeeze %dma_wait3A_346 : memref<1x128x128xf32, #tpu.memory_space<vmem>> -> memref<128x128xf32, #tpu.memory_space<vmem>>
    %dma_wait3A_348 = arith.constant 0 : i32
    %dma_wait3A_349 = tpu.memref_slice %arg5[%dma_wait3A_348] : memref<6400xi32, #tpu.memory_space<vmem>> -> memref<128xi32, #tpu.memory_space<vmem>>
    %dma_wait3A_350 = arith.constant 0 : i32
    %dma_wait3A_351 = arith.constant 0 : i32
    %dma_wait3A_352 = tpu.memref_slice %arg2[%dma_wait3A_350, %dma_wait3A_351] : memref<100000x128xf32, #tpu.memory_space<hbm>> -> memref<100000x128xf32, #tpu.memory_space<hbm>>
    %dma_wait3A_353 = tpu.memref_slice %arg7[%dma_wait3A_343] : memref<5x!tpu.dma_semaphore, #tpu.memory_space<semaphore_mem>> -> memref<1x!tpu.dma_semaphore, #tpu.memory_space<semaphore_mem>>
    %dma_wait3A_354 = tpu.memref_squeeze %dma_wait3A_353 : memref<1x!tpu.dma_semaphore, #tpu.memory_space<semaphore_mem>> -> memref<!tpu.dma_semaphore, #tpu.memory_space<semaphore_mem>>
    tpu.wait_indirect_dma semaphore(%dma_wait3A_354 : memref<!tpu.dma_semaphore, #tpu.memory_space<semaphore_mem>>) src(%dma_wait3A_352 : memref<100000x128xf32, #tpu.memory_space<hbm>>) dst(%dma_wait3A_347 : memref<128x128xf32, #tpu.memory_space<vmem>>)
    %add3A_355 = arith.constant 5760 : i32
    %add3A_356 = arith.addi %mul3A_2, %add3A_355 : i32
    %dma_start3A_357 = arith.constant 0 : i32
    %dma_start3A_358 = arith.constant 0 : i32
    %dma_start3A_359 = arith.constant 0 : i32
    %dma_start3A_360 = arith.constant 0 : i32
    %dma_start3A_361 = tpu.memref_slice %arg6[%dma_start3A_357, %dma_start3A_359, %dma_start3A_360] : memref<5x128x128xf32, #tpu.memory_space<vmem>> -> memref<1x128x128xf32, #tpu.memory_space<vmem>>
    %dma_start3A_362 = tpu.memref_squeeze %dma_start3A_361 : memref<1x128x128xf32, #tpu.memory_space<vmem>> -> memref<128x128xf32, #tpu.memory_space<vmem>>
    %dma_start3A_363 = arith.constant 0 : i32
    %dma_start3A_364 = tpu.memref_slice %arg4[%add3A_356, %dma_start3A_363] : memref<204800x128xf32, #tpu.memory_space<hbm>> -> memref<128x128xf32, #tpu.memory_space<hbm>>
    %dma_start3A_365 = tpu.memref_slice %arg8[%dma_start3A_358] : memref<5x!tpu.dma_semaphore, #tpu.memory_space<semaphore_mem>> -> memref<1x!tpu.dma_semaphore, #tpu.memory_space<semaphore_mem>>
    %dma_start3A_366 = tpu.memref_squeeze %dma_start3A_365 : memref<1x!tpu.dma_semaphore, #tpu.memory_space<semaphore_mem>> -> memref<!tpu.dma_semaphore, #tpu.memory_space<semaphore_mem>>
    %dma_start3A_367 = arith.constant 0 : i32
    %dma_start3A_368 = tpu.memref_slice %arg4[%add3A_356, %dma_start3A_367] : memref<204800x128xf32, #tpu.memory_space<hbm>> -> memref<128x128xf32, #tpu.memory_space<hbm>>
    %dma_start3A_369 = arith.constant 0 : i32
    %dma_start3A_370 = arith.constant 0 : i32
    %dma_start3A_371 = tpu.memref_slice %arg6[%dma_start3A_357, %dma_start3A_369, %dma_start3A_370] : memref<5x128x128xf32, #tpu.memory_space<vmem>> -> memref<1x128x128xf32, #tpu.memory_space<vmem>>
    %dma_start3A_372 = tpu.memref_squeeze %dma_start3A_371 : memref<1x128x128xf32, #tpu.memory_space<vmem>> -> memref<128x128xf32, #tpu.memory_space<vmem>>
    tpu.enqueue_dma source(%dma_start3A_372 : memref<128x128xf32, #tpu.memory_space<vmem>>) target(%dma_start3A_368 : memref<128x128xf32, #tpu.memory_space<hbm>>) target_semaphore(%dma_start3A_366 : memref<!tpu.dma_semaphore, #tpu.memory_space<semaphore_mem>>)
    %dma_wait3A_373 = arith.constant 4 : i32
    %dma_wait3A_374 = arith.constant 4 : i32
    %dma_wait3A_375 = arith.constant 0 : i32
    %dma_wait3A_376 = arith.constant 0 : i32
    %dma_wait3A_377 = tpu.memref_slice %arg6[%dma_wait3A_373, %dma_wait3A_375, %dma_wait3A_376] : memref<5x128x128xf32, #tpu.memory_space<vmem>> -> memref<1x128x128xf32, #tpu.memory_space<vmem>>
    %dma_wait3A_378 = tpu.memref_squeeze %dma_wait3A_377 : memref<1x128x128xf32, #tpu.memory_space<vmem>> -> memref<128x128xf32, #tpu.memory_space<vmem>>
    %dma_wait3A_379 = arith.constant 0 : i32
    %dma_wait3A_380 = tpu.memref_slice %arg4[%mul3A_2, %dma_wait3A_379] : memref<204800x128xf32, #tpu.memory_space<hbm>> -> memref<128x128xf32, #tpu.memory_space<hbm>>
    %dma_wait3A_381 = tpu.memref_slice %arg8[%dma_wait3A_374] : memref<5x!tpu.dma_semaphore, #tpu.memory_space<semaphore_mem>> -> memref<1x!tpu.dma_semaphore, #tpu.memory_space<semaphore_mem>>
    %dma_wait3A_382 = tpu.memref_squeeze %dma_wait3A_381 : memref<1x!tpu.dma_semaphore, #tpu.memory_space<semaphore_mem>> -> memref<!tpu.dma_semaphore, #tpu.memory_space<semaphore_mem>>
    %dma_wait3A_383 = arith.constant 0 : i32
    %dma_wait3A_384 = tpu.memref_slice %arg4[%mul3A_2, %dma_wait3A_383] : memref<204800x128xf32, #tpu.memory_space<hbm>> -> memref<128x128xf32, #tpu.memory_space<hbm>>
    %dma_wait3A_385 = arith.constant 0 : i32
    %dma_wait3A_386 = arith.constant 0 : i32
    %dma_wait3A_387 = tpu.memref_slice %arg6[%dma_wait3A_373, %dma_wait3A_385, %dma_wait3A_386] : memref<5x128x128xf32, #tpu.memory_space<vmem>> -> memref<1x128x128xf32, #tpu.memory_space<vmem>>
    %dma_wait3A_388 = tpu.memref_squeeze %dma_wait3A_387 : memref<1x128x128xf32, #tpu.memory_space<vmem>> -> memref<128x128xf32, #tpu.memory_space<vmem>>
    tpu.wait_dma2 semaphore(%dma_wait3A_382 : memref<!tpu.dma_semaphore, #tpu.memory_space<semaphore_mem>>) src(%dma_wait3A_388 : memref<128x128xf32, #tpu.memory_space<vmem>>) dst(%dma_wait3A_384 : memref<128x128xf32, #tpu.memory_space<hbm>>)
    %dma_start3A_389 = arith.constant 4 : i32
    %dma_start3A_390 = arith.constant 4 : i32
    %dma_start3A_391 = arith.constant 0 : i32
    %dma_start3A_392 = arith.constant 0 : i32
    %dma_start3A_393 = tpu.memref_slice %arg6[%dma_start3A_389, %dma_start3A_391, %dma_start3A_392] : memref<5x128x128xf32, #tpu.memory_space<vmem>> -> memref<1x128x128xf32, #tpu.memory_space<vmem>>
    %dma_start3A_394 = tpu.memref_squeeze %dma_start3A_393 : memref<1x128x128xf32, #tpu.memory_space<vmem>> -> memref<128x128xf32, #tpu.memory_space<vmem>>
    %dma_start3A_395 = arith.constant 6272 : i32
    %dma_start3A_396 = tpu.memref_slice %arg5[%dma_start3A_395] : memref<6400xi32, #tpu.memory_space<vmem>> -> memref<128xi32, #tpu.memory_space<vmem>>
    %dma_start3A_397 = arith.constant 0 : i32
    %dma_start3A_398 = arith.constant 0 : i32
    %dma_start3A_399 = tpu.memref_slice %arg2[%dma_start3A_397, %dma_start3A_398] : memref<100000x128xf32, #tpu.memory_space<hbm>> -> memref<100000x128xf32, #tpu.memory_space<hbm>>
    %dma_start3A_400 = tpu.memref_slice %arg7[%dma_start3A_390] : memref<5x!tpu.dma_semaphore, #tpu.memory_space<semaphore_mem>> -> memref<1x!tpu.dma_semaphore, #tpu.memory_space<semaphore_mem>>
    %dma_start3A_401 = tpu.memref_squeeze %dma_start3A_400 : memref<1x!tpu.dma_semaphore, #tpu.memory_space<semaphore_mem>> -> memref<!tpu.dma_semaphore, #tpu.memory_space<semaphore_mem>>
    tpu.enqueue_indirect_dma source(%dma_start3A_399 : memref<100000x128xf32, #tpu.memory_space<hbm>>) target(%dma_start3A_394 : memref<128x128xf32, #tpu.memory_space<vmem>>) offsets(%dma_start3A_396 : memref<128xi32, #tpu.memory_space<vmem>>) semaphore(%dma_start3A_401 : memref<!tpu.dma_semaphore, #tpu.memory_space<semaphore_mem>>)
    %dma_wait3A_402 = arith.constant 1 : i32
    %dma_wait3A_403 = arith.constant 1 : i32
    %dma_wait3A_404 = arith.constant 0 : i32
    %dma_wait3A_405 = arith.constant 0 : i32
    %dma_wait3A_406 = tpu.memref_slice %arg6[%dma_wait3A_402, %dma_wait3A_404, %dma_wait3A_405] : memref<5x128x128xf32, #tpu.memory_space<vmem>> -> memref<1x128x128xf32, #tpu.memory_space<vmem>>
    %dma_wait3A_407 = tpu.memref_squeeze %dma_wait3A_406 : memref<1x128x128xf32, #tpu.memory_space<vmem>> -> memref<128x128xf32, #tpu.memory_space<vmem>>
    %dma_wait3A_408 = arith.constant 0 : i32
    %dma_wait3A_409 = tpu.memref_slice %arg5[%dma_wait3A_408] : memref<6400xi32, #tpu.memory_space<vmem>> -> memref<128xi32, #tpu.memory_space<vmem>>
    %dma_wait3A_410 = arith.constant 0 : i32
    %dma_wait3A_411 = arith.constant 0 : i32
    %dma_wait3A_412 = tpu.memref_slice %arg2[%dma_wait3A_410, %dma_wait3A_411] : memref<100000x128xf32, #tpu.memory_space<hbm>> -> memref<100000x128xf32, #tpu.memory_space<hbm>>
    %dma_wait3A_413 = tpu.memref_slice %arg7[%dma_wait3A_403] : memref<5x!tpu.dma_semaphore, #tpu.memory_space<semaphore_mem>> -> memref<1x!tpu.dma_semaphore, #tpu.memory_space<semaphore_mem>>
    %dma_wait3A_414 = tpu.memref_squeeze %dma_wait3A_413 : memref<1x!tpu.dma_semaphore, #tpu.memory_space<semaphore_mem>> -> memref<!tpu.dma_semaphore, #tpu.memory_space<semaphore_mem>>
    tpu.wait_indirect_dma semaphore(%dma_wait3A_414 : memref<!tpu.dma_semaphore, #tpu.memory_space<semaphore_mem>>) src(%dma_wait3A_412 : memref<100000x128xf32, #tpu.memory_space<hbm>>) dst(%dma_wait3A_407 : memref<128x128xf32, #tpu.memory_space<vmem>>)
    %add3A_415 = arith.constant 5888 : i32
    %add3A_416 = arith.addi %mul3A_2, %add3A_415 : i32
    %dma_start3A_417 = arith.constant 1 : i32
    %dma_start3A_418 = arith.constant 1 : i32
    %dma_start3A_419 = arith.constant 0 : i32
    %dma_start3A_420 = arith.constant 0 : i32
    %dma_start3A_421 = tpu.memref_slice %arg6[%dma_start3A_417, %dma_start3A_419, %dma_start3A_420] : memref<5x128x128xf32, #tpu.memory_space<vmem>> -> memref<1x128x128xf32, #tpu.memory_space<vmem>>
    %dma_start3A_422 = tpu.memref_squeeze %dma_start3A_421 : memref<1x128x128xf32, #tpu.memory_space<vmem>> -> memref<128x128xf32, #tpu.memory_space<vmem>>
    %dma_start3A_423 = arith.constant 0 : i32
    %dma_start3A_424 = tpu.memref_slice %arg4[%add3A_416, %dma_start3A_423] : memref<204800x128xf32, #tpu.memory_space<hbm>> -> memref<128x128xf32, #tpu.memory_space<hbm>>
    %dma_start3A_425 = tpu.memref_slice %arg8[%dma_start3A_418] : memref<5x!tpu.dma_semaphore, #tpu.memory_space<semaphore_mem>> -> memref<1x!tpu.dma_semaphore, #tpu.memory_space<semaphore_mem>>
    %dma_start3A_426 = tpu.memref_squeeze %dma_start3A_425 : memref<1x!tpu.dma_semaphore, #tpu.memory_space<semaphore_mem>> -> memref<!tpu.dma_semaphore, #tpu.memory_space<semaphore_mem>>
    %dma_start3A_427 = arith.constant 0 : i32
    %dma_start3A_428 = tpu.memref_slice %arg4[%add3A_416, %dma_start3A_427] : memref<204800x128xf32, #tpu.memory_space<hbm>> -> memref<128x128xf32, #tpu.memory_space<hbm>>
    %dma_start3A_429 = arith.constant 0 : i32
    %dma_start3A_430 = arith.constant 0 : i32
    %dma_start3A_431 = tpu.memref_slice %arg6[%dma_start3A_417, %dma_start3A_429, %dma_start3A_430] : memref<5x128x128xf32, #tpu.memory_space<vmem>> -> memref<1x128x128xf32, #tpu.memory_space<vmem>>
    %dma_start3A_432 = tpu.memref_squeeze %dma_start3A_431 : memref<1x128x128xf32, #tpu.memory_space<vmem>> -> memref<128x128xf32, #tpu.memory_space<vmem>>
    tpu.enqueue_dma source(%dma_start3A_432 : memref<128x128xf32, #tpu.memory_space<vmem>>) target(%dma_start3A_428 : memref<128x128xf32, #tpu.memory_space<hbm>>) target_semaphore(%dma_start3A_426 : memref<!tpu.dma_semaphore, #tpu.memory_space<semaphore_mem>>)
    %dma_wait3A_433 = arith.constant 2 : i32
    %dma_wait3A_434 = arith.constant 2 : i32
    %dma_wait3A_435 = arith.constant 0 : i32
    %dma_wait3A_436 = arith.constant 0 : i32
    %dma_wait3A_437 = tpu.memref_slice %arg6[%dma_wait3A_433, %dma_wait3A_435, %dma_wait3A_436] : memref<5x128x128xf32, #tpu.memory_space<vmem>> -> memref<1x128x128xf32, #tpu.memory_space<vmem>>
    %dma_wait3A_438 = tpu.memref_squeeze %dma_wait3A_437 : memref<1x128x128xf32, #tpu.memory_space<vmem>> -> memref<128x128xf32, #tpu.memory_space<vmem>>
    %dma_wait3A_439 = arith.constant 0 : i32
    %dma_wait3A_440 = tpu.memref_slice %arg5[%dma_wait3A_439] : memref<6400xi32, #tpu.memory_space<vmem>> -> memref<128xi32, #tpu.memory_space<vmem>>
    %dma_wait3A_441 = arith.constant 0 : i32
    %dma_wait3A_442 = arith.constant 0 : i32
    %dma_wait3A_443 = tpu.memref_slice %arg2[%dma_wait3A_441, %dma_wait3A_442] : memref<100000x128xf32, #tpu.memory_space<hbm>> -> memref<100000x128xf32, #tpu.memory_space<hbm>>
    %dma_wait3A_444 = tpu.memref_slice %arg7[%dma_wait3A_434] : memref<5x!tpu.dma_semaphore, #tpu.memory_space<semaphore_mem>> -> memref<1x!tpu.dma_semaphore, #tpu.memory_space<semaphore_mem>>
    %dma_wait3A_445 = tpu.memref_squeeze %dma_wait3A_444 : memref<1x!tpu.dma_semaphore, #tpu.memory_space<semaphore_mem>> -> memref<!tpu.dma_semaphore, #tpu.memory_space<semaphore_mem>>
    tpu.wait_indirect_dma semaphore(%dma_wait3A_445 : memref<!tpu.dma_semaphore, #tpu.memory_space<semaphore_mem>>) src(%dma_wait3A_443 : memref<100000x128xf32, #tpu.memory_space<hbm>>) dst(%dma_wait3A_438 : memref<128x128xf32, #tpu.memory_space<vmem>>)
    %add3A_446 = arith.constant 6016 : i32
    %add3A_447 = arith.addi %mul3A_2, %add3A_446 : i32
    %dma_start3A_448 = arith.constant 2 : i32
    %dma_start3A_449 = arith.constant 2 : i32
    %dma_start3A_450 = arith.constant 0 : i32
    %dma_start3A_451 = arith.constant 0 : i32
    %dma_start3A_452 = tpu.memref_slice %arg6[%dma_start3A_448, %dma_start3A_450, %dma_start3A_451] : memref<5x128x128xf32, #tpu.memory_space<vmem>> -> memref<1x128x128xf32, #tpu.memory_space<vmem>>
    %dma_start3A_453 = tpu.memref_squeeze %dma_start3A_452 : memref<1x128x128xf32, #tpu.memory_space<vmem>> -> memref<128x128xf32, #tpu.memory_space<vmem>>
    %dma_start3A_454 = arith.constant 0 : i32
    %dma_start3A_455 = tpu.memref_slice %arg4[%add3A_447, %dma_start3A_454] : memref<204800x128xf32, #tpu.memory_space<hbm>> -> memref<128x128xf32, #tpu.memory_space<hbm>>
    %dma_start3A_456 = tpu.memref_slice %arg8[%dma_start3A_449] : memref<5x!tpu.dma_semaphore, #tpu.memory_space<semaphore_mem>> -> memref<1x!tpu.dma_semaphore, #tpu.memory_space<semaphore_mem>>
    %dma_start3A_457 = tpu.memref_squeeze %dma_start3A_456 : memref<1x!tpu.dma_semaphore, #tpu.memory_space<semaphore_mem>> -> memref<!tpu.dma_semaphore, #tpu.memory_space<semaphore_mem>>
    %dma_start3A_458 = arith.constant 0 : i32
    %dma_start3A_459 = tpu.memref_slice %arg4[%add3A_447, %dma_start3A_458] : memref<204800x128xf32, #tpu.memory_space<hbm>> -> memref<128x128xf32, #tpu.memory_space<hbm>>
    %dma_start3A_460 = arith.constant 0 : i32
    %dma_start3A_461 = arith.constant 0 : i32
    %dma_start3A_462 = tpu.memref_slice %arg6[%dma_start3A_448, %dma_start3A_460, %dma_start3A_461] : memref<5x128x128xf32, #tpu.memory_space<vmem>> -> memref<1x128x128xf32, #tpu.memory_space<vmem>>
    %dma_start3A_463 = tpu.memref_squeeze %dma_start3A_462 : memref<1x128x128xf32, #tpu.memory_space<vmem>> -> memref<128x128xf32, #tpu.memory_space<vmem>>
    tpu.enqueue_dma source(%dma_start3A_463 : memref<128x128xf32, #tpu.memory_space<vmem>>) target(%dma_start3A_459 : memref<128x128xf32, #tpu.memory_space<hbm>>) target_semaphore(%dma_start3A_457 : memref<!tpu.dma_semaphore, #tpu.memory_space<semaphore_mem>>)
    %dma_wait3A_464 = arith.constant 3 : i32
    %dma_wait3A_465 = arith.constant 3 : i32
    %dma_wait3A_466 = arith.constant 0 : i32
    %dma_wait3A_467 = arith.constant 0 : i32
    %dma_wait3A_468 = tpu.memref_slice %arg6[%dma_wait3A_464, %dma_wait3A_466, %dma_wait3A_467] : memref<5x128x128xf32, #tpu.memory_space<vmem>> -> memref<1x128x128xf32, #tpu.memory_space<vmem>>
    %dma_wait3A_469 = tpu.memref_squeeze %dma_wait3A_468 : memref<1x128x128xf32, #tpu.memory_space<vmem>> -> memref<128x128xf32, #tpu.memory_space<vmem>>
    %dma_wait3A_470 = arith.constant 0 : i32
    %dma_wait3A_471 = tpu.memref_slice %arg5[%dma_wait3A_470] : memref<6400xi32, #tpu.memory_space<vmem>> -> memref<128xi32, #tpu.memory_space<vmem>>
    %dma_wait3A_472 = arith.constant 0 : i32
    %dma_wait3A_473 = arith.constant 0 : i32
    %dma_wait3A_474 = tpu.memref_slice %arg2[%dma_wait3A_472, %dma_wait3A_473] : memref<100000x128xf32, #tpu.memory_space<hbm>> -> memref<100000x128xf32, #tpu.memory_space<hbm>>
    %dma_wait3A_475 = tpu.memref_slice %arg7[%dma_wait3A_465] : memref<5x!tpu.dma_semaphore, #tpu.memory_space<semaphore_mem>> -> memref<1x!tpu.dma_semaphore, #tpu.memory_space<semaphore_mem>>
    %dma_wait3A_476 = tpu.memref_squeeze %dma_wait3A_475 : memref<1x!tpu.dma_semaphore, #tpu.memory_space<semaphore_mem>> -> memref<!tpu.dma_semaphore, #tpu.memory_space<semaphore_mem>>
    tpu.wait_indirect_dma semaphore(%dma_wait3A_476 : memref<!tpu.dma_semaphore, #tpu.memory_space<semaphore_mem>>) src(%dma_wait3A_474 : memref<100000x128xf32, #tpu.memory_space<hbm>>) dst(%dma_wait3A_469 : memref<128x128xf32, #tpu.memory_space<vmem>>)
    %add3A_477 = arith.constant 6144 : i32
    %add3A_478 = arith.addi %mul3A_2, %add3A_477 : i32
    %dma_start3A_479 = arith.constant 3 : i32
    %dma_start3A_480 = arith.constant 3 : i32
    %dma_start3A_481 = arith.constant 0 : i32
    %dma_start3A_482 = arith.constant 0 : i32
    %dma_start3A_483 = tpu.memref_slice %arg6[%dma_start3A_479, %dma_start3A_481, %dma_start3A_482] : memref<5x128x128xf32, #tpu.memory_space<vmem>> -> memref<1x128x128xf32, #tpu.memory_space<vmem>>
    %dma_start3A_484 = tpu.memref_squeeze %dma_start3A_483 : memref<1x128x128xf32, #tpu.memory_space<vmem>> -> memref<128x128xf32, #tpu.memory_space<vmem>>
    %dma_start3A_485 = arith.constant 0 : i32
    %dma_start3A_486 = tpu.memref_slice %arg4[%add3A_478, %dma_start3A_485] : memref<204800x128xf32, #tpu.memory_space<hbm>> -> memref<128x128xf32, #tpu.memory_space<hbm>>
    %dma_start3A_487 = tpu.memref_slice %arg8[%dma_start3A_480] : memref<5x!tpu.dma_semaphore, #tpu.memory_space<semaphore_mem>> -> memref<1x!tpu.dma_semaphore, #tpu.memory_space<semaphore_mem>>
    %dma_start3A_488 = tpu.memref_squeeze %dma_start3A_487 : memref<1x!tpu.dma_semaphore, #tpu.memory_space<semaphore_mem>> -> memref<!tpu.dma_semaphore, #tpu.memory_space<semaphore_mem>>
    %dma_start3A_489 = arith.constant 0 : i32
    %dma_start3A_490 = tpu.memref_slice %arg4[%add3A_478, %dma_start3A_489] : memref<204800x128xf32, #tpu.memory_space<hbm>> -> memref<128x128xf32, #tpu.memory_space<hbm>>
    %dma_start3A_491 = arith.constant 0 : i32
    %dma_start3A_492 = arith.constant 0 : i32
    %dma_start3A_493 = tpu.memref_slice %arg6[%dma_start3A_479, %dma_start3A_491, %dma_start3A_492] : memref<5x128x128xf32, #tpu.memory_space<vmem>> -> memref<1x128x128xf32, #tpu.memory_space<vmem>>
    %dma_start3A_494 = tpu.memref_squeeze %dma_start3A_493 : memref<1x128x128xf32, #tpu.memory_space<vmem>> -> memref<128x128xf32, #tpu.memory_space<vmem>>
    tpu.enqueue_dma source(%dma_start3A_494 : memref<128x128xf32, #tpu.memory_space<vmem>>) target(%dma_start3A_490 : memref<128x128xf32, #tpu.memory_space<hbm>>) target_semaphore(%dma_start3A_488 : memref<!tpu.dma_semaphore, #tpu.memory_space<semaphore_mem>>)
    %dma_wait3A_495 = arith.constant 4 : i32
    %dma_wait3A_496 = arith.constant 4 : i32
    %dma_wait3A_497 = arith.constant 0 : i32
    %dma_wait3A_498 = arith.constant 0 : i32
    %dma_wait3A_499 = tpu.memref_slice %arg6[%dma_wait3A_495, %dma_wait3A_497, %dma_wait3A_498] : memref<5x128x128xf32, #tpu.memory_space<vmem>> -> memref<1x128x128xf32, #tpu.memory_space<vmem>>
    %dma_wait3A_500 = tpu.memref_squeeze %dma_wait3A_499 : memref<1x128x128xf32, #tpu.memory_space<vmem>> -> memref<128x128xf32, #tpu.memory_space<vmem>>
    %dma_wait3A_501 = arith.constant 0 : i32
    %dma_wait3A_502 = tpu.memref_slice %arg5[%dma_wait3A_501] : memref<6400xi32, #tpu.memory_space<vmem>> -> memref<128xi32, #tpu.memory_space<vmem>>
    %dma_wait3A_503 = arith.constant 0 : i32
    %dma_wait3A_504 = arith.constant 0 : i32
    %dma_wait3A_505 = tpu.memref_slice %arg2[%dma_wait3A_503, %dma_wait3A_504] : memref<100000x128xf32, #tpu.memory_space<hbm>> -> memref<100000x128xf32, #tpu.memory_space<hbm>>
    %dma_wait3A_506 = tpu.memref_slice %arg7[%dma_wait3A_496] : memref<5x!tpu.dma_semaphore, #tpu.memory_space<semaphore_mem>> -> memref<1x!tpu.dma_semaphore, #tpu.memory_space<semaphore_mem>>
    %dma_wait3A_507 = tpu.memref_squeeze %dma_wait3A_506 : memref<1x!tpu.dma_semaphore, #tpu.memory_space<semaphore_mem>> -> memref<!tpu.dma_semaphore, #tpu.memory_space<semaphore_mem>>
    tpu.wait_indirect_dma semaphore(%dma_wait3A_507 : memref<!tpu.dma_semaphore, #tpu.memory_space<semaphore_mem>>) src(%dma_wait3A_505 : memref<100000x128xf32, #tpu.memory_space<hbm>>) dst(%dma_wait3A_500 : memref<128x128xf32, #tpu.memory_space<vmem>>)
    %add3A_508 = arith.constant 6272 : i32
    %add3A_509 = arith.addi %mul3A_2, %add3A_508 : i32
    %dma_start3A_510 = arith.constant 4 : i32
    %dma_start3A_511 = arith.constant 4 : i32
    %dma_start3A_512 = arith.constant 0 : i32
    %dma_start3A_513 = arith.constant 0 : i32
    %dma_start3A_514 = tpu.memref_slice %arg6[%dma_start3A_510, %dma_start3A_512, %dma_start3A_513] : memref<5x128x128xf32, #tpu.memory_space<vmem>> -> memref<1x128x128xf32, #tpu.memory_space<vmem>>
    %dma_start3A_515 = tpu.memref_squeeze %dma_start3A_514 : memref<1x128x128xf32, #tpu.memory_space<vmem>> -> memref<128x128xf32, #tpu.memory_space<vmem>>
    %dma_start3A_516 = arith.constant 0 : i32
    %dma_start3A_517 = tpu.memref_slice %arg4[%add3A_509, %dma_start3A_516] : memref<204800x128xf32, #tpu.memory_space<hbm>> -> memref<128x128xf32, #tpu.memory_space<hbm>>
    %dma_start3A_518 = tpu.memref_slice %arg8[%dma_start3A_511] : memref<5x!tpu.dma_semaphore, #tpu.memory_space<semaphore_mem>> -> memref<1x!tpu.dma_semaphore, #tpu.memory_space<semaphore_mem>>
    %dma_start3A_519 = tpu.memref_squeeze %dma_start3A_518 : memref<1x!tpu.dma_semaphore, #tpu.memory_space<semaphore_mem>> -> memref<!tpu.dma_semaphore, #tpu.memory_space<semaphore_mem>>
    %dma_start3A_520 = arith.constant 0 : i32
    %dma_start3A_521 = tpu.memref_slice %arg4[%add3A_509, %dma_start3A_520] : memref<204800x128xf32, #tpu.memory_space<hbm>> -> memref<128x128xf32, #tpu.memory_space<hbm>>
    %dma_start3A_522 = arith.constant 0 : i32
    %dma_start3A_523 = arith.constant 0 : i32
    %dma_start3A_524 = tpu.memref_slice %arg6[%dma_start3A_510, %dma_start3A_522, %dma_start3A_523] : memref<5x128x128xf32, #tpu.memory_space<vmem>> -> memref<1x128x128xf32, #tpu.memory_space<vmem>>
    %dma_start3A_525 = tpu.memref_squeeze %dma_start3A_524 : memref<1x128x128xf32, #tpu.memory_space<vmem>> -> memref<128x128xf32, #tpu.memory_space<vmem>>
    tpu.enqueue_dma source(%dma_start3A_525 : memref<128x128xf32, #tpu.memory_space<vmem>>) target(%dma_start3A_521 : memref<128x128xf32, #tpu.memory_space<hbm>>) target_semaphore(%dma_start3A_519 : memref<!tpu.dma_semaphore, #tpu.memory_space<semaphore_mem>>)
    %dma_wait3A_526 = arith.constant 0 : i32
    %dma_wait3A_527 = arith.constant 0 : i32
    %dma_wait3A_528 = arith.constant 0 : i32
    %dma_wait3A_529 = arith.constant 0 : i32
    %dma_wait3A_530 = tpu.memref_slice %arg6[%dma_wait3A_526, %dma_wait3A_528, %dma_wait3A_529] : memref<5x128x128xf32, #tpu.memory_space<vmem>> -> memref<1x128x128xf32, #tpu.memory_space<vmem>>
    %dma_wait3A_531 = tpu.memref_squeeze %dma_wait3A_530 : memref<1x128x128xf32, #tpu.memory_space<vmem>> -> memref<128x128xf32, #tpu.memory_space<vmem>>
    %dma_wait3A_532 = arith.constant 0 : i32
    %dma_wait3A_533 = tpu.memref_slice %arg4[%mul3A_2, %dma_wait3A_532] : memref<204800x128xf32, #tpu.memory_space<hbm>> -> memref<128x128xf32, #tpu.memory_space<hbm>>
    %dma_wait3A_534 = tpu.memref_slice %arg8[%dma_wait3A_527] : memref<5x!tpu.dma_semaphore, #tpu.memory_space<semaphore_mem>> -> memref<1x!tpu.dma_semaphore, #tpu.memory_space<semaphore_mem>>
    %dma_wait3A_535 = tpu.memref_squeeze %dma_wait3A_534 : memref<1x!tpu.dma_semaphore, #tpu.memory_space<semaphore_mem>> -> memref<!tpu.dma_semaphore, #tpu.memory_space<semaphore_mem>>
    %dma_wait3A_536 = arith.constant 0 : i32
    %dma_wait3A_537 = tpu.memref_slice %arg4[%mul3A_2, %dma_wait3A_536] : memref<204800x128xf32, #tpu.memory_space<hbm>> -> memref<128x128xf32, #tpu.memory_space<hbm>>
    %dma_wait3A_538 = arith.constant 0 : i32
    %dma_wait3A_539 = arith.constant 0 : i32
    %dma_wait3A_540 = tpu.memref_slice %arg6[%dma_wait3A_526, %dma_wait3A_538, %dma_wait3A_539] : memref<5x128x128xf32, #tpu.memory_space<vmem>> -> memref<1x128x128xf32, #tpu.memory_space<vmem>>
    %dma_wait3A_541 = tpu.memref_squeeze %dma_wait3A_540 : memref<1x128x128xf32, #tpu.memory_space<vmem>> -> memref<128x128xf32, #tpu.memory_space<vmem>>
    tpu.wait_dma2 semaphore(%dma_wait3A_535 : memref<!tpu.dma_semaphore, #tpu.memory_space<semaphore_mem>>) src(%dma_wait3A_541 : memref<128x128xf32, #tpu.memory_space<vmem>>) dst(%dma_wait3A_537 : memref<128x128xf32, #tpu.memory_space<hbm>>)
    %dma_wait3A_542 = arith.constant 1 : i32
    %dma_wait3A_543 = arith.constant 1 : i32
    %dma_wait3A_544 = arith.constant 0 : i32
    %dma_wait3A_545 = arith.constant 0 : i32
    %dma_wait3A_546 = tpu.memref_slice %arg6[%dma_wait3A_542, %dma_wait3A_544, %dma_wait3A_545] : memref<5x128x128xf32, #tpu.memory_space<vmem>> -> memref<1x128x128xf32, #tpu.memory_space<vmem>>
    %dma_wait3A_547 = tpu.memref_squeeze %dma_wait3A_546 : memref<1x128x128xf32, #tpu.memory_space<vmem>> -> memref<128x128xf32, #tpu.memory_space<vmem>>
    %dma_wait3A_548 = arith.constant 0 : i32
    %dma_wait3A_549 = tpu.memref_slice %arg4[%mul3A_2, %dma_wait3A_548] : memref<204800x128xf32, #tpu.memory_space<hbm>> -> memref<128x128xf32, #tpu.memory_space<hbm>>
    %dma_wait3A_550 = tpu.memref_slice %arg8[%dma_wait3A_543] : memref<5x!tpu.dma_semaphore, #tpu.memory_space<semaphore_mem>> -> memref<1x!tpu.dma_semaphore, #tpu.memory_space<semaphore_mem>>
    %dma_wait3A_551 = tpu.memref_squeeze %dma_wait3A_550 : memref<1x!tpu.dma_semaphore, #tpu.memory_space<semaphore_mem>> -> memref<!tpu.dma_semaphore, #tpu.memory_space<semaphore_mem>>
    %dma_wait3A_552 = arith.constant 0 : i32
    %dma_wait3A_553 = tpu.memref_slice %arg4[%mul3A_2, %dma_wait3A_552] : memref<204800x128xf32, #tpu.memory_space<hbm>> -> memref<128x128xf32, #tpu.memory_space<hbm>>
    %dma_wait3A_554 = arith.constant 0 : i32
    %dma_wait3A_555 = arith.constant 0 : i32
    %dma_wait3A_556 = tpu.memref_slice %arg6[%dma_wait3A_542, %dma_wait3A_554, %dma_wait3A_555] : memref<5x128x128xf32, #tpu.memory_space<vmem>> -> memref<1x128x128xf32, #tpu.memory_space<vmem>>
    %dma_wait3A_557 = tpu.memref_squeeze %dma_wait3A_556 : memref<1x128x128xf32, #tpu.memory_space<vmem>> -> memref<128x128xf32, #tpu.memory_space<vmem>>
    tpu.wait_dma2 semaphore(%dma_wait3A_551 : memref<!tpu.dma_semaphore, #tpu.memory_space<semaphore_mem>>) src(%dma_wait3A_557 : memref<128x128xf32, #tpu.memory_space<vmem>>) dst(%dma_wait3A_553 : memref<128x128xf32, #tpu.memory_space<hbm>>)
    %dma_wait3A_558 = arith.constant 2 : i32
    %dma_wait3A_559 = arith.constant 2 : i32
    %dma_wait3A_560 = arith.constant 0 : i32
    %dma_wait3A_561 = arith.constant 0 : i32
    %dma_wait3A_562 = tpu.memref_slice %arg6[%dma_wait3A_558, %dma_wait3A_560, %dma_wait3A_561] : memref<5x128x128xf32, #tpu.memory_space<vmem>> -> memref<1x128x128xf32, #tpu.memory_space<vmem>>
    %dma_wait3A_563 = tpu.memref_squeeze %dma_wait3A_562 : memref<1x128x128xf32, #tpu.memory_space<vmem>> -> memref<128x128xf32, #tpu.memory_space<vmem>>
    %dma_wait3A_564 = arith.constant 0 : i32
    %dma_wait3A_565 = tpu.memref_slice %arg4[%mul3A_2, %dma_wait3A_564] : memref<204800x128xf32, #tpu.memory_space<hbm>> -> memref<128x128xf32, #tpu.memory_space<hbm>>
    %dma_wait3A_566 = tpu.memref_slice %arg8[%dma_wait3A_559] : memref<5x!tpu.dma_semaphore, #tpu.memory_space<semaphore_mem>> -> memref<1x!tpu.dma_semaphore, #tpu.memory_space<semaphore_mem>>
    %dma_wait3A_567 = tpu.memref_squeeze %dma_wait3A_566 : memref<1x!tpu.dma_semaphore, #tpu.memory_space<semaphore_mem>> -> memref<!tpu.dma_semaphore, #tpu.memory_space<semaphore_mem>>
    %dma_wait3A_568 = arith.constant 0 : i32
    %dma_wait3A_569 = tpu.memref_slice %arg4[%mul3A_2, %dma_wait3A_568] : memref<204800x128xf32, #tpu.memory_space<hbm>> -> memref<128x128xf32, #tpu.memory_space<hbm>>
    %dma_wait3A_570 = arith.constant 0 : i32
    %dma_wait3A_571 = arith.constant 0 : i32
    %dma_wait3A_572 = tpu.memref_slice %arg6[%dma_wait3A_558, %dma_wait3A_570, %dma_wait3A_571] : memref<5x128x128xf32, #tpu.memory_space<vmem>> -> memref<1x128x128xf32, #tpu.memory_space<vmem>>
    %dma_wait3A_573 = tpu.memref_squeeze %dma_wait3A_572 : memref<1x128x128xf32, #tpu.memory_space<vmem>> -> memref<128x128xf32, #tpu.memory_space<vmem>>
    tpu.wait_dma2 semaphore(%dma_wait3A_567 : memref<!tpu.dma_semaphore, #tpu.memory_space<semaphore_mem>>) src(%dma_wait3A_573 : memref<128x128xf32, #tpu.memory_space<vmem>>) dst(%dma_wait3A_569 : memref<128x128xf32, #tpu.memory_space<hbm>>)
    %dma_wait3A_574 = arith.constant 3 : i32
    %dma_wait3A_575 = arith.constant 3 : i32
    %dma_wait3A_576 = arith.constant 0 : i32
    %dma_wait3A_577 = arith.constant 0 : i32
    %dma_wait3A_578 = tpu.memref_slice %arg6[%dma_wait3A_574, %dma_wait3A_576, %dma_wait3A_577] : memref<5x128x128xf32, #tpu.memory_space<vmem>> -> memref<1x128x128xf32, #tpu.memory_space<vmem>>
    %dma_wait3A_579 = tpu.memref_squeeze %dma_wait3A_578 : memref<1x128x128xf32, #tpu.memory_space<vmem>> -> memref<128x128xf32, #tpu.memory_space<vmem>>
    %dma_wait3A_580 = arith.constant 0 : i32
    %dma_wait3A_581 = tpu.memref_slice %arg4[%mul3A_2, %dma_wait3A_580] : memref<204800x128xf32, #tpu.memory_space<hbm>> -> memref<128x128xf32, #tpu.memory_space<hbm>>
    %dma_wait3A_582 = tpu.memref_slice %arg8[%dma_wait3A_575] : memref<5x!tpu.dma_semaphore, #tpu.memory_space<semaphore_mem>> -> memref<1x!tpu.dma_semaphore, #tpu.memory_space<semaphore_mem>>
    %dma_wait3A_583 = tpu.memref_squeeze %dma_wait3A_582 : memref<1x!tpu.dma_semaphore, #tpu.memory_space<semaphore_mem>> -> memref<!tpu.dma_semaphore, #tpu.memory_space<semaphore_mem>>
    %dma_wait3A_584 = arith.constant 0 : i32
    %dma_wait3A_585 = tpu.memref_slice %arg4[%mul3A_2, %dma_wait3A_584] : memref<204800x128xf32, #tpu.memory_space<hbm>> -> memref<128x128xf32, #tpu.memory_space<hbm>>
    %dma_wait3A_586 = arith.constant 0 : i32
    %dma_wait3A_587 = arith.constant 0 : i32
    %dma_wait3A_588 = tpu.memref_slice %arg6[%dma_wait3A_574, %dma_wait3A_586, %dma_wait3A_587] : memref<5x128x128xf32, #tpu.memory_space<vmem>> -> memref<1x128x128xf32, #tpu.memory_space<vmem>>
    %dma_wait3A_589 = tpu.memref_squeeze %dma_wait3A_588 : memref<1x128x128xf32, #tpu.memory_space<vmem>> -> memref<128x128xf32, #tpu.memory_space<vmem>>
    tpu.wait_dma2 semaphore(%dma_wait3A_583 : memref<!tpu.dma_semaphore, #tpu.memory_space<semaphore_mem>>) src(%dma_wait3A_589 : memref<128x128xf32, #tpu.memory_space<vmem>>) dst(%dma_wait3A_585 : memref<128x128xf32, #tpu.memory_space<hbm>>)
    %dma_wait3A_590 = arith.constant 4 : i32
    %dma_wait3A_591 = arith.constant 4 : i32
    %dma_wait3A_592 = arith.constant 0 : i32
    %dma_wait3A_593 = arith.constant 0 : i32
    %dma_wait3A_594 = tpu.memref_slice %arg6[%dma_wait3A_590, %dma_wait3A_592, %dma_wait3A_593] : memref<5x128x128xf32, #tpu.memory_space<vmem>> -> memref<1x128x128xf32, #tpu.memory_space<vmem>>
    %dma_wait3A_595 = tpu.memref_squeeze %dma_wait3A_594 : memref<1x128x128xf32, #tpu.memory_space<vmem>> -> memref<128x128xf32, #tpu.memory_space<vmem>>
    %dma_wait3A_596 = arith.constant 0 : i32
    %dma_wait3A_597 = tpu.memref_slice %arg4[%mul3A_2, %dma_wait3A_596] : memref<204800x128xf32, #tpu.memory_space<hbm>> -> memref<128x128xf32, #tpu.memory_space<hbm>>
    %dma_wait3A_598 = tpu.memref_slice %arg8[%dma_wait3A_591] : memref<5x!tpu.dma_semaphore, #tpu.memory_space<semaphore_mem>> -> memref<1x!tpu.dma_semaphore, #tpu.memory_space<semaphore_mem>>
    %dma_wait3A_599 = tpu.memref_squeeze %dma_wait3A_598 : memref<1x!tpu.dma_semaphore, #tpu.memory_space<semaphore_mem>> -> memref<!tpu.dma_semaphore, #tpu.memory_space<semaphore_mem>>
    %dma_wait3A_600 = arith.constant 0 : i32
    %dma_wait3A_601 = tpu.memref_slice %arg4[%mul3A_2, %dma_wait3A_600] : memref<204800x128xf32, #tpu.memory_space<hbm>> -> memref<128x128xf32, #tpu.memory_space<hbm>>
    %dma_wait3A_602 = arith.constant 0 : i32
    %dma_wait3A_603 = arith.constant 0 : i32
    %dma_wait3A_604 = tpu.memref_slice %arg6[%dma_wait3A_590, %dma_wait3A_602, %dma_wait3A_603] : memref<5x128x128xf32, #tpu.memory_space<vmem>> -> memref<1x128x128xf32, #tpu.memory_space<vmem>>
    %dma_wait3A_605 = tpu.memref_squeeze %dma_wait3A_604 : memref<1x128x128xf32, #tpu.memory_space<vmem>> -> memref<128x128xf32, #tpu.memory_space<vmem>>
    tpu.wait_dma2 semaphore(%dma_wait3A_599 : memref<!tpu.dma_semaphore, #tpu.memory_space<semaphore_mem>>) src(%dma_wait3A_605 : memref<128x128xf32, #tpu.memory_space<vmem>>) dst(%dma_wait3A_601 : memref<128x128xf32, #tpu.memory_space<hbm>>)
    return
  }
}

</mosaic_0001>

<sc_bundles>
// kernel: kernel.3.cloned.1.call-start
scs
__scs_entry_jumppad:
0x0: {  	(pc) =	sbr.rel $0x88, $3  }
0x1: {  	(tag) =	ssettag $0x0;
	lr =	simm.s32 $0x1  }
0x2: {  	[smem:$0x3F9F] =	sst lr;
	_ =	strace $0xD0000000  }
0x3: {  	_ = 	snop  }
0x4: {  	_ = 	snop  }
0x5: {  	_ = 	snop  }
0x6: {  	_ = 	snop  }
0x7: {  	_ = 	snop  }
__scs_overlays_trampoline_lowered:
0x8: {  	[smem:$0x3FAE] =	sst s0  }
0x9: {  	[smem:$0x3FAF] =	sst s1  }
0xa: {  	[smem:$0x3FB0] =	sst s2  }
0xb: {  	[smem:$0x3FB1] =	sst s3  }
0xc: {  	[smem:$0x3FB2] =	sst s4  }
0xd: {  	[smem:$0x3FB3] =	sst s5  }
0xe: {  	[smem:$0x3FB4] =	sst s6  }
0xf: {  	[smem:$0x3FB5] =	sst s7  }
0x10: {  	[smem:$0x3FB6] =	sst s8  }
0x11: {  	[smem:$0x3FB7] =	sst s9;
	s0 =	simm.s32 @!p0 $0x0  }
0x12: {  	s1 =	sld [smem:$0x3F9D];
	s0 =	simm.s32 @p0 $0x1  }
0x13: {  	[smem:$0x3FB8] =	sst s0;
	s0 =	simm.s32 @!p1 $0x0  }
0x14: {  	s2 =	sld [smem:$0x3F9C];
	s0 =	simm.s32 @p1 $0x1  }
0x15: {  	[smem:$0x3FB9] =	sst s0;
	s0 =	simm.s32 @!p2 $0x0  }
0x16: {  	s3 =	sld [smem:$0x3FDB];
	s0 =	simm.s32 @p2 $0x1  }
0x17: {  	s4 =	simm.s32 $0x1BF5;
	[smem:$0x3FBB] =	sst s0  }
0x18: {  	s0 =	sld [smem:$0x3F9E];
	_ =	swait.ge [sflag:s4], $0x0  }
0x19: {  	s7 =	sld [smem:$0x3F9F]  }
0x1a: {  	s8 =	sadd.s32 $0xFFFFE003, lr  }
0x1b: {  	s9 =	sadd.s32 $0xFFFFFEF7, lr;
	s5 =	simm.s32 $0xFFFFFFFF;
	p2 =	slt.u32 s8, $0xFFFFF086  }
0x1c: {  	p1 =	slt.u32 s9, $0xF7A;
	s5 =	simm.s32 @!p2 $0x0  }
0x1d: {  	s5 =	simm.s32 @p1 $0x1;
	p0 =	seq.s32 s7, s2  }
0x1e: {  	s7 =	smul.u32 @!p0 $0xF7A, s2;
	p2 =	seq.s32 @!p0 s5, $0x0  }
0x1f: {  	s9 =	smul.u32 $0xF7A, s1;
	s8 =	simm.s32 @!p0 $0x1BF5;
	p2 =	por !p2, p0  }
0x20: {  	[sflag:s8] =	ssyncset.s32 @!p0 $0xFFFFF086;
	s6 =	sadd.s32 @!p0 s3, s7;
	s7 =	simm.s32 @!p0 $0x108  }
0x21: {  	s3 =	sadd.s32 s3, s9;
	s6 =	sadd.s32 @!p0 $0x88, s6;
	s7 =	simm.s32 @p2 $0x1082  }
0x22: {  	[simem:s7], [sflag:s8] =	dma.local @!p0 [hbm:s6], $0xF7A  }
0x23: {  	s9 =	sor.u32 $0xD0000000, s2;
	s6 =	simm.s32 $0x108;
	_ =	swait.ge @!p0 [sflag:s8], $0x0  }
0x24: {  	s3 =	sadd.s32 $0x88, s3;
	s6 =	simm.s32 @!p1 $0x1082;
	[sflag:s4] =	ssyncset.s32 $0xFFFFF086  }
0x25: {  	[simem:s6], [sflag:s4] =	dma.local [hbm:s3], $0xF7A  }
0x26: {  	[smem:$0x3F9F] =	sst s1;
	(tag) =	ssettag s2;
	_ =	strace s9  }
0x27: {  	s1 =	sld [smem:$0x3FAF]  }
0x28: {  	s2 =	sld [smem:$0x3FB0]  }
0x29: {  	s4 =	sld [smem:$0x3FB2]  }
0x2a: {  	p0 =	seq.s32 s5, $0x0;
	s5 =	sld [smem:$0x3FB3]  }
0x2b: {  	s6 =	sld [smem:$0x3FB4]  }
0x2c: {  	s7 =	sld [smem:$0x3FB5]  }
0x2d: {  	s3 =	simm.s32 $0x108;
	s8 =	sld [smem:$0x3FB6]  }
0x2e: {  	s3 =	simm.s32 @!p0 $0x1082;
	s9 =	sld [smem:$0x3FB7]  }
0x2f: {  	lr =	sadd.s32 s0, s3;
	s0 =	sld [smem:$0x3FAE]  }
0x30: {  	s3 =	sld [smem:$0x3FB1]  }
0x31: {  	[smem:$0x3FBA] =	sst s10  }
0x32: {  	s10 =	sld [smem:$0x3FB8];
	_ =	sdelay $0x3  }
0x33: {  	p0 =	seq.s32 s10, $0x1;
	s10 =	sld [smem:$0x3FBA];
	_ =	sdelay $0x3  }
0x34: {  	[smem:$0x3FBA] =	sst s10  }
0x35: {  	s10 =	sld [smem:$0x3FB9];
	_ =	sdelay $0x3  }
0x36: {  	p1 =	seq.s32 s10, $0x1;
	s10 =	sld [smem:$0x3FBA];
	_ =	sdelay $0x3  }
0x37: {  	[smem:$0x3FBA] =	sst s10  }
0x38: {  	s10 =	sld [smem:$0x3FBB]  }
0x39: {  	_ = 	snop;
	(pc) =	sbr.ind lr, $3  }
0x3a: {  	_ = 	snop  }
0x3b: {  	_ = 	snop  }
0x3c: {  	p2 =	seq.s32 s10, $0x1;
	s10 =	sld [smem:$0x3FBA]  }
0x3d: {  	_ =	shalt  }
0x3e: {  	_ =	shalt  }
0x3f: {  	_ =	shalt  }
0x40: {  	_ =	shalt  }
0x41: {  	_ =	shalt  }
0x42: {  	_ =	shalt  }
0x43: {  	_ =	shalt  }
0x44: {  	_ =	shalt  }
0x45: {  	_ =	shalt  }
0x46: {  	_ =	shalt  }
0x47: {  	_ =	shalt  }
0x48: {  	_ =	shalt  }
0x49: {  	_ =	shalt  }
0x4a: {  	_ =	shalt  }
0x4b: {  	_ =	shalt  }
0x4c: {  	_ =	shalt  }
0x4d: {  	_ =	shalt  }
0x4e: {  	_ =	shalt  }
0x4f: {  	_ =	shalt  }
0x50: {  	_ =	shalt  }
0x51: {  	_ =	shalt  }
0x52: {  	_ =	shalt  }
0x53: {  	_ =	shalt  }
0x54: {  	_ =	shalt  }
0x55: {  	_ =	shalt  }
0x56: {  	_ =	shalt  }
0x57: {  	_ =	shalt  }
0x58: {  	_ =	shalt  }
0x59: {  	_ =	shalt  }
0x5a: {  	_ =	shalt  }
0x5b: {  	_ =	shalt  }
0x5c: {  	_ =	shalt  }
0x5d: {  	_ =	shalt  }
0x5e: {  	_ =	shalt  }
0x5f: {  	_ =	shalt  }
0x60: {  	_ =	shalt  }
0x61: {  	_ =	shalt  }
0x62: {  	_ =	shalt  }
0x63: {  	_ =	shalt  }
0x64: {  	_ =	shalt  }
0x65: {  	_ =	shalt  }
0x66: {  	_ =	shalt  }
0x67: {  	_ =	shalt  }
0x68: {  	_ =	shalt  }
0x69: {  	_ =	shalt  }
0x6a: {  	_ =	shalt  }
0x6b: {  	_ =	shalt  }
0x6c: {  	_ =	shalt  }
0x6d: {  	_ =	shalt  }
0x6e: {  	_ =	shalt  }
0x6f: {  	_ =	shalt  }
0x70: {  	_ =	shalt  }
0x71: {  	_ =	shalt  }
0x72: {  	_ =	shalt  }
0x73: {  	_ =	shalt  }
0x74: {  	_ =	shalt  }
0x75: {  	_ =	shalt  }
0x76: {  	_ =	shalt  }
0x77: {  	_ =	shalt  }
0x78: {  	_ =	shalt  }
0x79: {  	_ =	shalt  }
0x7a: {  	_ =	shalt  }
0x7b: {  	_ =	shalt  }
0x7c: {  	_ =	shalt  }
0x7d: {  	_ =	shalt  }
0x7e: {  	_ =	shalt  }
0x7f: {  	_ =	shalt  }
0x80: {  	_ =	shalt  }
0x81: {  	_ =	shalt  }
0x82: {  	_ =	shalt  }
0x83: {  	_ =	shalt  }
0x84: {  	_ =	shalt  }
0x85: {  	_ =	shalt  }
0x86: {  	_ =	shalt  }
0x87: {  	_ =	shalt  }
.Lfunc_end0:
.L_simem_size_0:
called_computation_lowered:
.L_overlay_start_0:
0x88: {  	s2 =	sld [smem:$0x3FD9]  }
0x89: {  	s3 =	sld [smem:$0x3FFE];
	_ =	sdelay $0x1  }
0x8a: {  	s1 =	srdreg.scid  }
0x8b: {  	s0 =	sand.u32 $0x1, s1  }
0x8c: {  	s17 =	sshll.u32 s0, $0xA;
	s2 =	sadd.s32 s3, s2  }
0x8d: {  	s2 =	sadd.s32 s2, s17  }
0x8e: {  	[smem:$0x3FC6] =	sst s2  }
0x8f: {  	_ = 	snop  }
0x90: {  	s2 =	sld [smem:$0x3FC8]  }
0x91: {  	s18 =	sld [smem:$0x3FD0];
	(tm) =	ssettm $0x1  }
0x92: {  	s4 =	sld [smem:$0x3FFB];
	_ =	sdelay $0x3  }
0x93: {  	_ =	strace s4  }
0x94: {  	s4 =	sld [smem:$0x3FFC];
	_ =	sdelay $0x3  }
0x95: {  	_ =	strace s4  }
0x96: {  	s4 =	sld [smem:$0x3FFD];
	_ =	sdelay $0x3  }
0x97: {  	_ =	strace s4  }
0x98: {  	_ =	strace $0x8FFFFFFF  }
0x99: {  	s19 =	sld [smem:$0x3FDB];
	_ =	sdelay $0x1  }
0x9a: {  	s5 =	simm.s32 $_scs_section_size  }
0x9b: {  	s6 =	simm.s32 $_size__tile_overlayer_lowered;
	s7 =	simm.s32 $_tile_overlayer_lowered  }
0x9c: {  	s22 =	simm.s32 $0x1BFF;
	s21 =	sshll.u32 s7, $0x1;
	s4 =	sadd.s32 s5, s19  }
0x9d: {  	s8 =	simm.s32 $0x0;
	s20 =	sshll.u32 s6, $0x1;
	s6 =	sadd.s32 s21, s4  }
0x9e: {  	[timem:s8], [sflag:s22] =	dma.local [hbm:s6], s20  }
0x9f: {  	_ =	swait.ge [sflag:s22], s20  }
0xa0: {  	s5 =	ssub.s32 $0x0, s20;
	[sflag:s22] =	ssyncset.done $0x0  }
0xa1: {  	[sflag:s22] =	ssyncadd.s32 s5;
	_ =	sdelay $0x1  }
0xa2: {  	s23 =	simm.s32 $0x1B8B  }
0xa3: {  	_ =	swait.ge [sflag:s23], $0x1  }
0xa4: {  	[sflag:s23] =	ssyncset.done $0x0  }
0xa5: {  	s25 =	simm.s32 $0x1B8E;
	s24 =	sld [smem:$0x3FFE];
	[sflag:s23] =	ssyncadd.s32 $0xFFFFFFFF  }
0xa6: {  	s26 =	simm.s32 $execute0_lowered;
	[smem:$0x3FD2] =	sst s25  }
0xa7: {  	s6 =	sshll.u32 s26, $0x1;
	_ =	strace $0x80000046;
	[dreg:$0x1] =	wrdreg $0xFFFFFFFF  }
0xa8: {  	s28 =	simm.s32 $_size_execute0_lowered;
	s4 =	sadd.s32 s4, s6;
	[dreg:$0x0] =	wrdreg $0x0  }
0xa9: {  	s6 =	sshll.u32 s28, $0x1;
	[dreg:$0x2] =	wrdreg s4  }
0xaa: {  	[dreg:$0x3] =	wrdreg s6  }
0xab: {  	[dreg:$0x4] =	wrdreg $0xC0  }
0xac: {  	_ =	task [dreg:s8], $0x5FFFF  }
0xad: {  	[dreg:$0x1] =	wrdreg $0xFFFFFFFF  }
0xae: {  	[dreg:$0x0] =	wrdreg $0x60  }
0xaf: {  	[dreg:$0x2] =	wrdreg s2  }
0xb0: {  	[dreg:$0x3] =	wrdreg s24  }
0xb1: {  	[dreg:$0x4] =	wrdreg s18  }
0xb2: {  	[dreg:$0x5] =	wrdreg $0x9  }
0xb3: {  	_ =	task.clear_ibuf [dreg:s8], $0x6FFFF;
	_ =	strace $0x90000046  }
0xb4: {  	s29 =	simm.s32 $0x9;
	_ =	strace $0x80000048  }
0xb5: {  	_ =	swait.ge [sflag:s29], $0x1  }
0xb6: {  	[sflag:s29] =	ssyncadd.s32 $0xFFFFFFFF  }
0xb7: {  	_ =	strace $0x90000048  }
0xb8: {  	_ =	sfence  }
0xb9: {  	s30 =	sld [smem:$0x0];
	_ =	sdelay $0x2  }
0xba: {  	s31 =	sshll.u32 s1, $0xD;
	s1 =	sshrl.u32 s1, $0x2  }
0xbb: {  	s3 =	sand.u32 $0x4000, s31;
	s1 =	sadd.s32 s1, s30  }
0xbc: {  	s0 =	sor.u32 s3, s0;
	s1 =	sshll.u32 s1, $0x11  }
0xbd: {  	s0 =	sor.u32 s1, s0  }
0xbe: {  	s0 =	sadd.s32 $0x8F2B, s0  }
0xbf: {  	[sflag:s0] =	ssyncadd.remote.s32 $0x1  }
0xc0: {  	_ =	sfence.sel $0xFFFF  }
0xc1: {  	[dreg:$0x0] =	wrdreg $0xFFFFFFFF;
	(pc) =	sbr.abs _section_cstart, $3  }
0xc2: {  	[dreg:$0x1] =	wrdreg $0xFFFFFFFF  }
0xc3: {  	_ =	task.clear_ibuf [dreg:s8], $0x2FFFF;
	_ =	strace $0x9FFFFFFF  }
0xc4: {  	(tm) =	ssettm $0x7FFFFFFF  }
0xc5: {  	_ =	shalt  }
tec
execute0_lowered:
.L_overlay_start_1:
0x0: {  	(tag) =	ssettag $0x1  }
0x1: {  	s1 =	rddreg [dreg:$0x0]  }
0x2: {  	s0 =	rddreg [dreg:$0x1];
	s2 =	srdreg.scid  }
0x3: {  	s9 =	stileid.u32;
	s5 =	rddreg [dreg:$0x2]  }
0x4: {  	s3 =	simm.s32 $0x0;
	s17 =	simm.s32 $0xB;
	s18 =	simm.s32 $0x80  }
0x5: {  	s19 =	simm.s32 $0x1900;
	s2 =	sand.u32 $0x1, s2;
	s4 =	sshll.u32 s9, $0x1  }
0x6: {  	s28 =	simm.s32 $0x11900;
	s25 =	smul.u32 $0x32000, s9;
	s4 =	sor.u32 s2, s4  }
0x7: {  	s29 =	simm.s32 $0x2;
	s30 =	simm.s32 $0x6;
	s6 =	smul.u32 $0x1900, s4  }
0x8: {  	s31 =	simm.s32 $0x9;
	[smem:$0x7FF] =	sst s3;
	s7 =	smul.u32 $0xC8000, s4  }
0x9: {  	_ =	strace $0x80000047;
	s8 =	ssub.s32 $0x2, s2;
	s4 =	smul.u32 $0x19000, s4  }
0xa: {  	s2 =	smul.u32 $0x19000, s2;
	s20 =	sshrl.u32 s8, $0x1;
	s6 =	sshrl.u32 s6, $0x3  }
0xb: {  	s7 =	sshrl.u32 s7, $0x3;
	s4 =	sadd.s32 s5, s4;
	s0 =	sadd.s32 s6, s0  }
0xc: {  	s6 =	ssub.s32 s8, s20;
	s7 =	sadd.s32 s5, s7;
	s21 =	sadd.s32 $0x800, s4  }
0xd: {  	s20 =	simm.s32 $0x5900;
	s0 =	sadd.s32 $0x400, s0;
	[dreg:$0x5] =	wrdreg s21  }
0xe: {  	s22 =	sadd.s32 $0x1000, s7;
	s23 =	sadd.s32 $0x1800, s7;
	s24 =	sadd.s32 $0x2000, s7  }
0xf: {  	s26 =	sadd.s32 $0x16800, s7;
	s11 =	sadd.s32 $0x17000, s7;
	[dreg:$0x4] =	wrdreg s0  }
0x10: {  	s12 =	sadd.s32 $0x17800, s7;
	s13 =	sadd.s32 $0x18000, s7;
	[dreg:$0x6] =	wrdreg s22  }
0x11: {  	s14 =	sadd.s32 $0x18800, s7;
	s15 =	smax.u32 s6, $0x1;
	[dreg:$0x7] =	wrdreg s23  }
0x12: {  	s21 =	simm.s32 $0x5;
	s6 =	simm.s32 $0x0;
	[dreg:$0x8] =	wrdreg s24  }
0x13: {  	[dreg:$0x9] =	wrdreg s26;
	s0 =	sadd.s32 s25, s5;
	s22 =	simm.s32 $0x9900  }
0x14: {  	s24 =	simm.s32 $0xD900;
	s25 =	simm.s32 $0x1;
	s23 =	simm.s32 $0x4  }
0x15: {  	s26 =	simm.s32 $0x8;
	s5 =	simm.s32 $0xA;
	s0 =	sadd.s32 s2, s0  }
0x16: {  	s2 =	simm.s32 $0x3;
	s16 =	sadd.s32 $0x4800, s0;
	s0 =	simm.s32 $0x7  }
.LBB2_1:
0x17: {  	s7 =	rddreg [dreg:$0x4]  }
0x18: {  	[tilespmem:s3], [sflag:$0xB] =	stream.linear.gather [hbm4b:s7+s3], $0x1900, $0x38;
	[tilespmem:$0x15900] =	vst v63  }
0x19: {  	_ =	swait.ge [sflag:s17], $0x1900  }
0x1a: {  	[sflag:s17] =	ssyncset.done $0x0  }
0x1b: {  	[sflag:s17] =	ssyncadd.s32 $0xFFFFE700  }
0x1c: {  	[tilespmem:s19], [sflag:$0x1] =	stream.indirect.gather [hbm4b:s1+s18], $0x80, s3, s18, $0xb8;
	[tilespmem:$0x15900] =	vst v63  }
0x1d: {  	_ = 	snop  }
0x1e: {  	[tilespmem:s20], [sflag:$0x2] =	stream.indirect.gather [hbm4b:s1+s18], $0x80, s18, s18, $0xb8;
	[tilespmem:$0x15900] =	vst v63  }
0x1f: {  	s10 =	simm.s32 $0x100  }
0x20: {  	[tilespmem:s22], [sflag:$0x3] =	stream.indirect.gather [hbm4b:s1+s18], $0x80, s10, s18, $0xb8;
	[tilespmem:$0x15900] =	vst v63  }
0x21: {  	s8 =	simm.s32 $0x180  }
0x22: {  	[tilespmem:s24], [sflag:$0x4] =	stream.indirect.gather [hbm4b:s1+s18], $0x80, s8, s18, $0xb8;
	[tilespmem:$0x15900] =	vst v63  }
0x23: {  	_ =	swait.ge [sflag:s25], $0x4000  }
0x24: {  	[sflag:s25] =	ssyncset.done $0x0  }
0x25: {  	[sflag:s25] =	ssyncadd.s32 $0xFFFFC000  }
0x26: {  	[hbm4b:s4+s3] =	stream.linear.scatter [tilespmem:s19], [sflag:$0x6], $0x4000, $0x38;
	[tilespmem:$0x15900] =	vst v63  }
0x27: {  	s9 =	simm.s32 $0x200  }
0x28: {  	[tilespmem:s28], [sflag:$0x5] =	stream.indirect.gather [hbm4b:s1+s18], $0x80, s9, s18, $0xb8;
	[tilespmem:$0x15900] =	vst v63  }
0x29: {  	_ =	swait.ge [sflag:s29], $0x4000  }
0x2a: {  	[sflag:s29] =	ssyncset.done $0x0  }
0x2b: {  	s10 =	rddreg [dreg:$0x5];
	[sflag:s29] =	ssyncadd.s32 $0xFFFFC000  }
0x2c: {  	[hbm4b:s10+s3] =	stream.linear.scatter [tilespmem:s20], [sflag:$0x7], $0x4000, $0x38;
	[tilespmem:$0x15900] =	vst v63  }
0x2d: {  	_ =	swait.ge [sflag:s30], $0x4000  }
0x2e: {  	[sflag:s30] =	ssyncset.done $0x0  }
0x2f: {  	s8 =	simm.s32 $0x280;
	[sflag:s30] =	ssyncadd.s32 $0xFFFFC000  }
0x30: {  	[tilespmem:s19], [sflag:$0x1] =	stream.indirect.gather [hbm4b:s1+s18], $0x80, s8, s18, $0xb8;
	[tilespmem:$0x15900] =	vst v63  }
0x31: {  	_ =	swait.ge [sflag:s2], $0x4000  }
0x32: {  	[sflag:s2] =	ssyncset.done $0x0  }
0x33: {  	s9 =	rddreg [dreg:$0x6];
	[sflag:s2] =	ssyncadd.s32 $0xFFFFC000  }
0x34: {  	[hbm4b:s9+s3] =	stream.linear.scatter [tilespmem:s22], [sflag:$0x8], $0x4000, $0x38;
	[tilespmem:$0x15900] =	vst v63  }
0x35: {  	_ =	swait.ge [sflag:s0], $0x4000  }
0x36: {  	[sflag:s0] =	ssyncset.done $0x0  }
0x37: {  	s10 =	simm.s32 $0x300;
	[sflag:s0] =	ssyncadd.s32 $0xFFFFC000  }
0x38: {  	[tilespmem:s20], [sflag:$0x2] =	stream.indirect.gather [hbm4b:s1+s18], $0x80, s10, s18, $0xb8;
	[tilespmem:$0x15900] =	vst v63  }
0x39: {  	_ =	swait.ge [sflag:s23], $0x4000  }
0x3a: {  	[sflag:s23] =	ssyncset.done $0x0  }
0x3b: {  	s8 =	rddreg [dreg:$0x7];
	[sflag:s23] =	ssyncadd.s32 $0xFFFFC000  }
0x3c: {  	[hbm4b:s8+s3] =	stream.linear.scatter [tilespmem:s24], [sflag:$0x9], $0x4000, $0x38;
	[tilespmem:$0x15900] =	vst v63  }
0x3d: {  	_ =	swait.ge [sflag:s26], $0x4000  }
0x3e: {  	[sflag:s26] =	ssyncset.done $0x0  }
0x3f: {  	s9 =	simm.s32 $0x380;
	[sflag:s26] =	ssyncadd.s32 $0xFFFFC000  }
0x40: {  	[tilespmem:s22], [sflag:$0x3] =	stream.indirect.gather [hbm4b:s1+s18], $0x80, s9, s18, $0xb8;
	[tilespmem:$0x15900] =	vst v63  }
0x41: {  	_ =	swait.ge [sflag:s21], $0x4000  }
0x42: {  	[sflag:s21] =	ssyncset.done $0x0  }
0x43: {  	s10 =	rddreg [dreg:$0x8];
	[sflag:s21] =	ssyncadd.s32 $0xFFFFC000  }
0x44: {  	[hbm4b:s10+s3] =	stream.linear.scatter [tilespmem:s28], [sflag:$0xA], $0x4000, $0x38;
	[tilespmem:$0x15900] =	vst v63  }
0x45: {  	_ =	swait.ge [sflag:s31], $0x4000  }
0x46: {  	[sflag:s31] =	ssyncset.done $0x0  }
0x47: {  	s8 =	simm.s32 $0x400;
	[sflag:s31] =	ssyncadd.s32 $0xFFFFC000  }
0x48: {  	[tilespmem:s24], [sflag:$0x4] =	stream.indirect.gather [hbm4b:s1+s18], $0x80, s8, s18, $0xb8;
	[tilespmem:$0x15900] =	vst v63  }
0x49: {  	_ =	swait.ge [sflag:s25], $0x4000  }
0x4a: {  	[sflag:s25] =	ssyncset.done $0x0  }
0x4b: {  	s9 =	sadd.s32 $0xFFFFE000, s16;
	[sflag:s25] =	ssyncadd.s32 $0xFFFFC000  }
0x4c: {  	[hbm4b:s9+s3] =	stream.linear.scatter [tilespmem:s19], [sflag:$0x6], $0x4000, $0x38;
	[tilespmem:$0x15900] =	vst v63  }
0x4d: {  	_ =	swait.ge [sflag:s5], $0x4000  }
0x4e: {  	[sflag:s5] =	ssyncset.done $0x0  }
0x4f: {  	s10 =	simm.s32 $0x480;
	[sflag:s5] =	ssyncadd.s32 $0xFFFFC000  }
0x50: {  	[tilespmem:s28], [sflag:$0x5] =	stream.indirect.gather [hbm4b:s1+s18], $0x80, s10, s18, $0xb8;
	[tilespmem:$0x15900] =	vst v63  }
0x51: {  	_ =	swait.ge [sflag:s29], $0x4000  }
0x52: {  	[sflag:s29] =	ssyncset.done $0x0  }
0x53: {  	s8 =	sadd.s32 $0xFFFFE800, s16;
	[sflag:s29] =	ssyncadd.s32 $0xFFFFC000  }
0x54: {  	[hbm4b:s8+s3] =	stream.linear.scatter [tilespmem:s20], [sflag:$0x7], $0x4000, $0x38;
	[tilespmem:$0x15900] =	vst v63  }
0x55: {  	_ =	swait.ge [sflag:s30], $0x4000  }
0x56: {  	[sflag:s30] =	ssyncset.done $0x0  }
0x57: {  	s9 =	simm.s32 $0x500;
	[sflag:s30] =	ssyncadd.s32 $0xFFFFC000  }
0x58: {  	[tilespmem:s19], [sflag:$0x1] =	stream.indirect.gather [hbm4b:s1+s18], $0x80, s9, s18, $0xb8;
	[tilespmem:$0x15900] =	vst v63  }
0x59: {  	_ =	swait.ge [sflag:s2], $0x4000  }
0x5a: {  	[sflag:s2] =	ssyncset.done $0x0  }
0x5b: {  	s10 =	sadd.s32 $0xFFFFF000, s16;
	[sflag:s2] =	ssyncadd.s32 $0xFFFFC000  }
0x5c: {  	[hbm4b:s10+s3] =	stream.linear.scatter [tilespmem:s22], [sflag:$0x8], $0x4000, $0x38;
	[tilespmem:$0x15900] =	vst v63  }
0x5d: {  	_ =	swait.ge [sflag:s0], $0x4000  }
0x5e: {  	[sflag:s0] =	ssyncset.done $0x0  }
0x5f: {  	s8 =	simm.s32 $0x580;
	[sflag:s0] =	ssyncadd.s32 $0xFFFFC000  }
0x60: {  	[tilespmem:s20], [sflag:$0x2] =	stream.indirect.gather [hbm4b:s1+s18], $0x80, s8, s18, $0xb8;
	[tilespmem:$0x15900] =	vst v63  }
0x61: {  	_ =	swait.ge [sflag:s23], $0x4000  }
0x62: {  	[sflag:s23] =	ssyncset.done $0x0  }
0x63: {  	s9 =	sadd.s32 $0xFFFFF800, s16;
	[sflag:s23] =	ssyncadd.s32 $0xFFFFC000  }
0x64: {  	[hbm4b:s9+s3] =	stream.linear.scatter [tilespmem:s24], [sflag:$0x9], $0x4000, $0x38;
	[tilespmem:$0x15900] =	vst v63  }
0x65: {  	_ =	swait.ge [sflag:s26], $0x4000  }
0x66: {  	[sflag:s26] =	ssyncset.done $0x0  }
0x67: {  	s10 =	simm.s32 $0x600;
	[sflag:s26] =	ssyncadd.s32 $0xFFFFC000  }
0x68: {  	[tilespmem:s22], [sflag:$0x3] =	stream.indirect.gather [hbm4b:s1+s18], $0x80, s10, s18, $0xb8;
	[tilespmem:$0x15900] =	vst v63  }
0x69: {  	_ =	swait.ge [sflag:s21], $0x4000  }
0x6a: {  	[sflag:s21] =	ssyncset.done $0x0  }
0x6b: {  	[sflag:s21] =	ssyncadd.s32 $0xFFFFC000  }
0x6c: {  	[hbm4b:s16+s3] =	stream.linear.scatter [tilespmem:s28], [sflag:$0xA], $0x4000, $0x38;
	[tilespmem:$0x15900] =	vst v63  }
0x6d: {  	_ =	swait.ge [sflag:s31], $0x4000  }
0x6e: {  	s7 =	simm.s32 $0xA00;
	[sflag:s31] =	ssyncset.done $0x0  }
0x6f: {  	s8 =	sadd.s32 $0x2800, s16;
	s9 =	simm.s32 $0x680;
	[sflag:s31] =	ssyncadd.s32 $0xFFFFC000  }
.LBB2_2:
0x70: {  	[tilespmem:s24], [sflag:$0x4] =	stream.indirect.gather [hbm4b:s1+s18], $0x80, s9, s18, $0xb8;
	[tilespmem:$0x15900] =	vst v63  }
0x71: {  	s9 =	smov.u32 s7  }
0x72: {  	p0 =	sne.s32 s7, $0x4600;
	s7 =	sadd.s32 $0xA00, s7;
	_ =	swait.ge [sflag:s25], $0x4000  }
0x73: {  	[sflag:s25] =	ssyncset.done $0x0  }
0x74: {  	s10 =	sadd.s32 $0xFFFFE000, s8;
	[sflag:s25] =	ssyncadd.s32 $0xFFFFC000  }
0x75: {  	[hbm4b:s10+s3] =	stream.linear.scatter [tilespmem:s19], [sflag:$0x6], $0x4000, $0x38;
	[tilespmem:$0x15900] =	vst v63  }
0x76: {  	_ =	swait.ge [sflag:s5], $0x4000  }
0x77: {  	s9 =	sshra.s32 s9, $0x2;
	[sflag:s5] =	ssyncset.done $0x0  }
0x78: {  	s10 =	sadd.s32 $0x480, s9;
	[sflag:s5] =	ssyncadd.s32 $0xFFFFC000  }
0x79: {  	[tilespmem:s28], [sflag:$0x5] =	stream.indirect.gather [hbm4b:s1+s18], $0x80, s10, s18, $0xb8;
	[tilespmem:$0x15900] =	vst v63  }
0x7a: {  	_ =	swait.ge [sflag:s29], $0x4000  }
0x7b: {  	[sflag:s29] =	ssyncset.done $0x0  }
0x7c: {  	s10 =	sadd.s32 $0xFFFFE800, s8;
	[sflag:s29] =	ssyncadd.s32 $0xFFFFC000  }
0x7d: {  	[hbm4b:s10+s3] =	stream.linear.scatter [tilespmem:s20], [sflag:$0x7], $0x4000, $0x38;
	[tilespmem:$0x15900] =	vst v63  }
0x7e: {  	_ =	swait.ge [sflag:s30], $0x4000  }
0x7f: {  	[sflag:s30] =	ssyncset.done $0x0  }
0x80: {  	s10 =	sadd.s32 $0x500, s9;
	[sflag:s30] =	ssyncadd.s32 $0xFFFFC000  }
0x81: {  	[tilespmem:s19], [sflag:$0x1] =	stream.indirect.gather [hbm4b:s1+s18], $0x80, s10, s18, $0xb8;
	[tilespmem:$0x15900] =	vst v63  }
0x82: {  	_ =	swait.ge [sflag:s2], $0x4000  }
0x83: {  	[sflag:s2] =	ssyncset.done $0x0  }
0x84: {  	s10 =	sadd.s32 $0xFFFFF000, s8;
	[sflag:s2] =	ssyncadd.s32 $0xFFFFC000  }
0x85: {  	[hbm4b:s10+s3] =	stream.linear.scatter [tilespmem:s22], [sflag:$0x8], $0x4000, $0x38;
	[tilespmem:$0x15900] =	vst v63  }
0x86: {  	_ =	swait.ge [sflag:s0], $0x4000  }
0x87: {  	[sflag:s0] =	ssyncset.done $0x0  }
0x88: {  	s10 =	sadd.s32 $0x580, s9;
	[sflag:s0] =	ssyncadd.s32 $0xFFFFC000  }
0x89: {  	[tilespmem:s20], [sflag:$0x2] =	stream.indirect.gather [hbm4b:s1+s18], $0x80, s10, s18, $0xb8;
	[tilespmem:$0x15900] =	vst v63  }
0x8a: {  	_ =	swait.ge [sflag:s23], $0x4000  }
0x8b: {  	[sflag:s23] =	ssyncset.done $0x0  }
0x8c: {  	s10 =	sadd.s32 $0xFFFFF800, s8;
	[sflag:s23] =	ssyncadd.s32 $0xFFFFC000  }
0x8d: {  	[hbm4b:s10+s3] =	stream.linear.scatter [tilespmem:s24], [sflag:$0x9], $0x4000, $0x38;
	[tilespmem:$0x15900] =	vst v63  }
0x8e: {  	_ =	swait.ge [sflag:s26], $0x4000  }
0x8f: {  	[sflag:s26] =	ssyncset.done $0x0  }
0x90: {  	s10 =	sadd.s32 $0x600, s9;
	[sflag:s26] =	ssyncadd.s32 $0xFFFFC000  }
0x91: {  	[tilespmem:s22], [sflag:$0x3] =	stream.indirect.gather [hbm4b:s1+s18], $0x80, s10, s18, $0xb8;
	[tilespmem:$0x15900] =	vst v63  }
0x92: {  	_ =	swait.ge [sflag:s21], $0x4000  }
0x93: {  	[sflag:s21] =	ssyncset.done $0x0  }
.Ltmp0:
0x94: {  	[sflag:s21] =	ssyncadd.s32 $0xFFFFC000;
	(pc) =	sbr.rel @p0 .LBB2_2-.Ltmp0, $4  }
0x95: {  	[hbm4b:s8+s3] =	stream.linear.scatter [tilespmem:s28], [sflag:$0xA], $0x4000, $0x38;
	[tilespmem:$0x15900] =	vst v63  }
0x96: {  	_ =	swait.ge [sflag:s31], $0x4000  }
0x97: {  	[sflag:s31] =	ssyncset.done $0x0  }
0x98: {  	s9 =	sadd.s32 $0x680, s9;
	s8 =	sadd.s32 $0x2800, s8;
	[sflag:s31] =	ssyncadd.s32 $0xFFFFC000  }
0x99: {  	[tilespmem:s24], [sflag:$0x4] =	stream.indirect.gather [hbm4b:s1+s18], $0x80, s9, s18, $0xb8;
	[tilespmem:$0x15900] =	vst v63  }
0x9a: {  	_ =	swait.ge [sflag:s25], $0x4000  }
0x9b: {  	[sflag:s25] =	ssyncset.done $0x0  }
0x9c: {  	s7 =	rddreg [dreg:$0x9];
	[sflag:s25] =	ssyncadd.s32 $0xFFFFC000  }
0x9d: {  	[hbm4b:s7+s3] =	stream.linear.scatter [tilespmem:s19], [sflag:$0x6], $0x4000, $0x38;
	[tilespmem:$0x15900] =	vst v63  }
0x9e: {  	_ =	swait.ge [sflag:s5], $0x4000  }
0x9f: {  	[sflag:s5] =	ssyncset.done $0x0  }
0xa0: {  	s10 =	simm.s32 $0x1880;
	[sflag:s5] =	ssyncadd.s32 $0xFFFFC000  }
0xa1: {  	[tilespmem:s28], [sflag:$0x5] =	stream.indirect.gather [hbm4b:s1+s18], $0x80, s10, s18, $0xb8;
	[tilespmem:$0x15900] =	vst v63  }
0xa2: {  	_ =	swait.ge [sflag:s29], $0x4000  }
0xa3: {  	[sflag:s29] =	ssyncset.done $0x0  }
0xa4: {  	[sflag:s29] =	ssyncadd.s32 $0xFFFFC000  }
0xa5: {  	[hbm4b:s11+s3] =	stream.linear.scatter [tilespmem:s20], [sflag:$0x7], $0x4000, $0x38;
	[tilespmem:$0x15900] =	vst v63  }
0xa6: {  	_ =	swait.ge [sflag:s2], $0x4000  }
0xa7: {  	[sflag:s2] =	ssyncset.done $0x0  }
0xa8: {  	[sflag:s2] =	ssyncadd.s32 $0xFFFFC000  }
0xa9: {  	[hbm4b:s12+s3] =	stream.linear.scatter [tilespmem:s22], [sflag:$0x8], $0x4000, $0x38;
	[tilespmem:$0x15900] =	vst v63  }
0xaa: {  	_ =	swait.ge [sflag:s23], $0x4000  }
0xab: {  	[sflag:s23] =	ssyncset.done $0x0  }
0xac: {  	[sflag:s23] =	ssyncadd.s32 $0xFFFFC000  }
0xad: {  	[hbm4b:s13+s3] =	stream.linear.scatter [tilespmem:s24], [sflag:$0x9], $0x4000, $0x38;
	[tilespmem:$0x15900] =	vst v63  }
0xae: {  	_ =	swait.ge [sflag:s21], $0x4000  }
0xaf: {  	[sflag:s21] =	ssyncset.done $0x0  }
0xb0: {  	[sflag:s21] =	ssyncadd.s32 $0xFFFFC000  }
0xb1: {  	[hbm4b:s14+s3] =	stream.linear.scatter [tilespmem:s28], [sflag:$0xA], $0x4000, $0x38;
	[tilespmem:$0x15900] =	vst v63  }
0xb2: {  	_ =	swait.ge [sflag:s30], $0x4000  }
0xb3: {  	[sflag:s30] =	ssyncset.done $0x0  }
0xb4: {  	[sflag:s30] =	ssyncadd.s32 $0xFFFFC000  }
0xb5: {  	_ =	swait.ge [sflag:s0], $0x4000  }
0xb6: {  	[sflag:s0] =	ssyncset.done $0x0  }
0xb7: {  	[sflag:s0] =	ssyncadd.s32 $0xFFFFC000  }
0xb8: {  	_ =	swait.ge [sflag:s26], $0x4000  }
0xb9: {  	[sflag:s26] =	ssyncset.done $0x0  }
0xba: {  	s6 =	sadd.s32 $0x1, s6;
	[sflag:s26] =	ssyncadd.s32 $0xFFFFC000  }
0xbb: {  	p0 =	sne.s32 s6, s15;
	_ =	swait.ge [sflag:s31], $0x4000  }
.Ltmp1:
0xbc: {  	[sflag:s31] =	ssyncset.done $0x0;
	(pc) =	sbr.rel @p0 .LBB2_1-.Ltmp1, $4  }
0xbd: {  	[sflag:s31] =	ssyncadd.s32 $0xFFFFC000  }
0xbe: {  	_ =	swait.ge [sflag:s5], $0x4000  }
0xbf: {  	[sflag:s5] =	ssyncset.done $0x0  }
0xc0: {  	[sflag:s5] =	ssyncadd.s32 $0xFFFFC000  }
0xc1: {  	_ =	sfence.sel $0x180000  }
0xc2: {  	[bflag:$0x0] =	sbarrier.arrive $0xFFFF  }
0xc3: {  	_ =	strace $0x90000047  }
0xc4: {  	s0 =	stileid.u32;
	[bflag:$0x2] =	sbarrier.arrive $0xFFFF  }
0xc5: {  	p0 =	sne.s32 s0, $0x0;
	s0 =	rddreg [dreg:$0x3]  }
0xc6: {  	s0 =	sadd.s32 @!p0 $0x100000, s0  }
0xc7: {  	[sflag:s0] =	ssyncadd.tile.s32 @!p0 $0x1;
	_ =	shalt  }
.Lfunc_end2:
_tile_overlayer_lowered:
.L_overlay_start_2:
0xc8: {  	(tag) =	ssettag $0x2  }
0xc9: {  	s0 =	rddreg [dreg:$0x0];
	s2 =	stileid.u32  }
0xca: {  	s1 =	rddreg [dreg:$0x1];
	p0 =	sne.s32 s2, $0x0  }
0xcb: {  	s3 =	rddreg [dreg:$0x2];
	[bflag:$0x3] =	sbarrier.arrive $0xFFFF;
	s2 =	simm.s32 @!p0 $0x1C0B  }
0xcc: {  	[timem:s3], [sflag:s2] =	dma.local @!p0 [hbm:s0], s1  }
0xcd: {  	s0 =	simm.s32 @!p0 $0xB  }
0xce: {  	_ =	swait.ge @!p0 [sflag:s0], s1  }
0xcf: {  	s1 =	ssub.s32 @!p0 $0x0, s1;
	[sflag:s0] =	ssyncset.done @!p0 $0x0  }
0xd0: {  	[sflag:s0] =	ssyncadd.s32 @!p0 s1  }
0xd1: {  	[bflag:$0x3] =	sbarrier.arrive $0xFFFF  }
0xd2: {  	_ =	shalt  }

</sc_bundles>
